<compile_context>
chip_gen: v7x
topology: tpu7x:2x2x1
jax: 0.10.2.dev20260603
libtpu: 0.0.44.dev20260713+nightly
codegen_flags: <defaults>
</compile_context>

<pallas_src>
import functools

import jax
import jax.numpy as jnp
from jax import lax
from jax.experimental import pallas as pl
from jax.experimental.pallas import tpu as pltpu
from jax.experimental.pallas import tpu_sc as plsc

NC = 2
NS = 16
L = 16
NW = NC * NS

N_NODES = 10000
N_EDGES = 320000
D_EDGE = 16
D_NODE = 128
HID = 64

NPAD = 10240
E_HALF = N_EDGES // NC
EC = 3200
N_EC = E_HALF // EC
CNT_W = 10112
_UNROLL = 8


@functools.cache
def _sc_scatter_kernel():
    mesh = plsc.VectorSubcoreMesh(core_axis_name="c", subcore_axis_name="s",
                                  num_cores=NC, num_subcores=NS)
    return pl.kernel(
        _sc_scatter_body,
        out_type=(
            jax.ShapeDtypeStruct((NC, NS, NPAD), jnp.float32),
            jax.ShapeDtypeStruct((NC, NS, NPAD), jnp.float32),
        ),
        mesh=mesh,
        compiler_params=pltpu.CompilerParams(needs_layout_passes=False),
        scratch_types=[
            pltpu.VMEM((EC,), jnp.float32),
            pltpu.VMEM((EC,), jnp.float32),
            pltpu.VMEM((2, EC), jnp.int32),
            pltpu.VMEM((2, EC), jnp.int32),
            pltpu.VMEM((2, CNT_W), jnp.int32),
            pltpu.VMEM((NPAD,), jnp.float32),
            pltpu.VMEM((NPAD,), jnp.float32),
            pltpu.SemaphoreType.DMA,
            pltpu.SemaphoreType.DMA,
            pltpu.SemaphoreType.DMA,
            pltpu.SemaphoreType.DMA,
        ],
    )


def _sc_scatter_body(eaT_hbm, col_hbm, sums_out, cnt_out,
                     vbuf0, vbuf1, ibuf0, ibuf1, cbuf, acc_s, acc_c,
                     vsem0, vsem1, isem0, isem1):
    c = lax.axis_index("c")
    f = lax.axis_index("s")
    z16 = jnp.zeros((L,), jnp.float32)
    ones16 = jnp.ones((L,), jnp.float32)
    vbufs = (vbuf0, vbuf1)
    ibufs = (ibuf0, ibuf1)
    vsems = (vsem0, vsem1)
    isems = (isem0, isem1)
    ebase = c * E_HALF

    def zero_body(n, carry):
        acc_s[pl.ds(n * L, L)] = z16
        acc_c[pl.ds(n * L, L)] = z16
        return carry
    lax.fori_loop(0, NPAD // L, zero_body, 0)

    def _start(k, b):
        pltpu.async_copy(eaT_hbm.at[f, pl.ds(ebase + k * EC, EC)],
                         vbufs[b], vsems[b])
        pltpu.async_copy(col_hbm.at[:, pl.ds(ebase + k * EC, EC)],
                         ibufs[b], isems[b])
    _start(0, 0)
    _start(1, 1)

    w = f * NC + c
    nch = 78 + (w >= 28).astype(jnp.int32)
    coff = (78 * w + jnp.maximum(w - 28, 0)) * 128
    pltpu.sync_copy(col_hbm.at[:, pl.ds(coff, CNT_W)], cbuf)

    def cnt_body(i, carry):
        ivs = [cbuf[1, pl.ds((i * 8 + u) * L, L)] for u in range(8)]
        for u in range(8):
            plsc.addupdate_scatter(acc_c, [ivs[u]], ones16)
        return carry
    lax.fori_loop(0, nch, cnt_body, 0)

    def pair_body(t, carry):
        for b in range(2):
            k = 2 * t + b
            pltpu.make_async_copy(eaT_hbm.at[f, pl.ds(0, EC)], vbufs[b],
                                  vsems[b]).wait()
            pltpu.make_async_copy(col_hbm.at[:, pl.ds(0, EC)], ibufs[b],
                                  isems[b]).wait()

            def scat_body(i, carry2):
                ivs = [ibufs[b][1, pl.ds((i * _UNROLL + u) * L, L)]
                       for u in range(_UNROLL)]
                vvs = [vbufs[b][pl.ds((i * _UNROLL + u) * L, L)]
                       for u in range(_UNROLL)]
                for u in range(_UNROLL):
                    plsc.addupdate_scatter(acc_s, [ivs[u]], vvs[u])
                return carry2
            lax.fori_loop(0, EC // L // _UNROLL, scat_body, 0)

            @pl.when(k + 2 < N_EC)
            def _():
                _start(k + 2, b)
        return carry
    lax.fori_loop(0, N_EC // 2, pair_body, 0)

    pltpu.sync_copy(acc_s, sums_out.at[c, f])
    pltpu.sync_copy(acc_c, cnt_out.at[c, f])


_NB = 2048


def _mlp_body(x_ref, sums_ref, cnt_ref, w1x_ref, w1a_ref, b1_ref, w2_ref,
              b2_ref, out_ref):
    x = x_ref[...]
    s_t = sums_ref[0] + sums_ref[1]
    cnt = jnp.sum(cnt_ref[0] + cnt_ref[1], axis=0)
    agg_t = s_t / jnp.maximum(cnt, 1.0)[None, :]
    h = jnp.dot(x, w1x_ref[...], preferred_element_type=jnp.float32)
    h = h + lax.dot_general(agg_t, w1a_ref[...], (((0,), (0,)), ((), ())),
                            preferred_element_type=jnp.float32)
    h = jnp.maximum(h + b1_ref[...], 0.0)
    out_ref[...] = (x + jnp.dot(h, w2_ref[...],
                                preferred_element_type=jnp.float32)
                    + b2_ref[...])


def _tc_mlp(x, sums_t, cnt_p, w1x, w1a, b1, w2, b2):
    return pl.pallas_call(
        _mlp_body,
        out_shape=jax.ShapeDtypeStruct((N_NODES, D_NODE), jnp.float32),
        grid=(-(-N_NODES // _NB),),
        in_specs=[
            pl.BlockSpec((_NB, D_NODE), lambda i: (i, 0)),
            pl.BlockSpec((NC, NS, _NB), lambda i: (0, 0, i)),
            pl.BlockSpec((NC, NS, _NB), lambda i: (0, 0, i)),
            pl.BlockSpec((D_NODE, HID), lambda i: (0, 0)),
            pl.BlockSpec((L, HID), lambda i: (0, 0)),
            pl.BlockSpec((1, HID), lambda i: (0, 0)),
            pl.BlockSpec((HID, D_NODE), lambda i: (0, 0)),
            pl.BlockSpec((1, D_NODE), lambda i: (0, 0)),
        ],
        out_specs=pl.BlockSpec((_NB, D_NODE), lambda i: (i, 0)),
    )(x, sums_t, cnt_p, w1x, w1a, b1, w2, b2)


@jax.jit
def kernel(x, edge_index, edge_attr, u, batch, W1, b1, W2, b2):
    ea_t = edge_attr.T
    sums_t, cnt_p = _sc_scatter_kernel()(ea_t, edge_index)
    return _tc_mlp(x, sums_t, cnt_p, W1[:D_NODE], W1[D_NODE:],
                   b1.reshape(1, HID), W2, b2.reshape(1, D_NODE))

# --- scband reference (transcript-rebuilt; emitter-appended) ---
"""Pipeline reference for scband-node-model-60069412602311 (READ-ONLY COPY).

The authoritative reference and input builder live on the scoring server;
editing this copy changes nothing except your own understanding.
"""

import jax, jax.numpy as jnp
import numpy as np

N_NODES = 10000
N_EDGES = 320000
D_NODE = 128
D_EDGE = 16
HID = 64


def setup_inputs(seed: int = 0) -> dict:
    key = jax.random.key(seed)
    ks = jax.random.split(key, 8)
    x = jax.random.normal(ks[0], (N_NODES, D_NODE), dtype=jnp.float32)
    edge_index = jax.random.randint(ks[1], (2, N_EDGES), 0, N_NODES, dtype=jnp.int64 if jax.config.jax_enable_x64 else jnp.int32).astype(jnp.int32)
    edge_attr = jax.random.normal(ks[2], (N_EDGES, D_EDGE), dtype=jnp.float32)
    u = jnp.zeros((1, 64), dtype=jnp.float32)
    batch = jnp.zeros((N_NODES,), dtype=jnp.int32)
    # MLP params: Linear(node_in+edge_in -> hid), ReLU, Linear(hid -> node_in)
    fan1 = D_NODE + D_EDGE
    W1 = jax.random.uniform(ks[3], (fan1, HID), minval=-1.0 / np.sqrt(fan1), maxval=1.0 / np.sqrt(fan1), dtype=jnp.float32)
    b1 = jax.random.uniform(ks[4], (HID,), minval=-1.0 / np.sqrt(fan1), maxval=1.0 / np.sqrt(fan1), dtype=jnp.float32)
    W2 = jax.random.uniform(ks[5], (HID, D_NODE), minval=-1.0 / np.sqrt(HID), maxval=1.0 / np.sqrt(HID), dtype=jnp.float32)
    b2 = jax.random.uniform(ks[6], (D_NODE,), minval=-1.0 / np.sqrt(HID), maxval=1.0 / np.sqrt(HID), dtype=jnp.float32)
    return {"x": x, "edge_index": edge_index, "edge_attr": edge_attr, "u": u, "batch": batch, "W1": W1, "b1": b1, "W2": W2, "b2": b2}


def reference(x, edge_index, edge_attr, u, batch, W1, b1, W2, b2):
    # row, col = edge_index
    col = edge_index[1]
    n = x.shape[0]
    # scatter(edge_attr, col, dim=0, reduce='mean', dim_size=n)
    summed = jax.ops.segment_sum(edge_attr, col, num_segments=n)
    cnt = jax.ops.segment_sum(jnp.ones((edge_attr.shape[0], 1), dtype=x.dtype), col, num_segments=n)
    agg = summed / jnp.maximum(cnt, 1.0)
    h = jnp.concatenate([x, agg], axis=-1)
    h = jnp.maximum(h @ W1 + b1, 0.0)
    out = x + (h @ W2 + b2)
    return out

if __name__ == "__main__":
    import jax
    _d = setup_inputs()
    print(jax.jit(kernel)(*tuple(_d.values())))

</pallas_src>

<mosaic_0001>
#map = affine_map<(d0, d1) -> (0, 0)>
#map1 = affine_map<(d0, d1) -> (0, 0, 0)>
module attributes {stable_mosaic.version = 14 : i64} {
  func.func @_sc_scatter_body(%arg0: i32, %arg1: i32, %arg2: memref<16x320000xf32, #tpu.memory_space<hbm>>, %arg3: memref<2x320000xi32, #tpu.memory_space<hbm>>, %arg4: memref<2x16x10240xf32, #tpu.memory_space<hbm>>, %arg5: memref<2x16x10240xf32, #tpu.memory_space<hbm>>, %arg6: memref<3200xf32, #tpu.memory_space<vmem>>, %arg7: memref<3200xf32, #tpu.memory_space<vmem>>, %arg8: memref<2x3200xi32, #tpu.memory_space<vmem>>, %arg9: memref<2x3200xi32, #tpu.memory_space<vmem>>, %arg10: memref<2x10112xi32, #tpu.memory_space<vmem>>, %arg11: memref<10240xf32, #tpu.memory_space<vmem>>, %arg12: memref<10240xf32, #tpu.memory_space<vmem>>, %arg13: memref<!tpu.dma_semaphore, #tpu.memory_space<semaphore_mem>>, %arg14: memref<!tpu.dma_semaphore, #tpu.memory_space<semaphore_mem>>, %arg15: memref<!tpu.dma_semaphore, #tpu.memory_space<semaphore_mem>>, %arg16: memref<!tpu.dma_semaphore, #tpu.memory_space<semaphore_mem>>) attributes {dimension_semantics = [#tpu.dimension_semantics<core_parallel>, #tpu.dimension_semantics<subcore_parallel>], iteration_bounds = array<i64: 2, 16>, scalar_prefetch = 0 : i64, scratch_operands = 11 : i64, tpu.core_type = #tpu.core_type<sc_vector_subcore>, window_params = [{transform_indices = #map}, {transform_indices = #map}, {transform_indices = #map1}, {transform_indices = #map1}]} {
    %broadcast_in_dim3A = arith.constant 0.000000e+00 : f32
    %broadcast_in_dim3A_0 = vector.broadcast %broadcast_in_dim3A : f32 to vector<16xf32>
    %broadcast_in_dim3A_1 = arith.constant 1.000000e+00 : f32
    %broadcast_in_dim3A_2 = vector.broadcast %broadcast_in_dim3A_1 : f32 to vector<16xf32>
    %mul3A = arith.constant 160000 : i32
    %mul3A_3 = arith.muli %arg0, %mul3A : i32
    %scan3A = arith.constant 0 : i32
    %scan3A_4 = arith.constant 0 : i32
    %scan3A_5 = arith.constant 640 : i32
    %scan3A_6 = arith.addi %scan3A_4, %scan3A_5 : i32
    %scan3A_7 = arith.constant 1 : i32
    scf.for %scan3A_59 = %scan3A_4 to %scan3A_6 step %scan3A_7  : i32 {
      %mul3A_60 = arith.constant 16 : i32
      %mul3A_61 = arith.muli %scan3A_59, %mul3A_60 : i32
      %swap3A = arith.index_cast %mul3A_61 : i32 to index
      %swap3A_62 = tpu.vector_load %arg11[%swap3A] {strides = array<i32>} : memref<10240xf32, #tpu.memory_space<vmem>>, vector<16xf32>,
      tpu.vector_store %arg11[%swap3A], %broadcast_in_dim3A_0 {strides = array<i32>} : memref<10240xf32, #tpu.memory_space<vmem>>, vector<16xf32>,
      %mul3A_63 = arith.constant 16 : i32
      %mul3A_64 = arith.muli %scan3A_59, %mul3A_63 : i32
      %swap3A_65 = arith.index_cast %mul3A_64 : i32 to index
      %swap3A_66 = tpu.vector_load %arg12[%swap3A_65] {strides = array<i32>} : memref<10240xf32, #tpu.memory_space<vmem>>, vector<16xf32>,
      tpu.vector_store %arg12[%swap3A_65], %broadcast_in_dim3A_0 {strides = array<i32>} : memref<10240xf32, #tpu.memory_space<vmem>>, vector<16xf32>,
    }
    %scan3A_8 = arith.constant 640 : i32
    %add3A = arith.constant 0 : i32
    %add3A_9 = arith.addi %mul3A_3, %add3A : i32
    %dma_start3A = tpu.memref_slice %arg2[%arg1, %add3A_9] : memref<16x320000xf32, #tpu.memory_space<hbm>> -> memref<1x3200xf32, #tpu.memory_space<hbm>>
    %dma_start3A_10 = tpu.memref_squeeze %dma_start3A : memref<1x3200xf32, #tpu.memory_space<hbm>> -> memref<3200xf32, #tpu.memory_space<hbm>>
    %dma_start3A_11 = tpu.memref_slice %arg2[%arg1, %add3A_9] : memref<16x320000xf32, #tpu.memory_space<hbm>> -> memref<1x3200xf32, #tpu.memory_space<hbm>>
    %dma_start3A_12 = tpu.memref_squeeze %dma_start3A_11 : memref<1x3200xf32, #tpu.memory_space<hbm>> -> memref<3200xf32, #tpu.memory_space<hbm>>
    tpu.enqueue_dma source(%dma_start3A_12 : memref<3200xf32, #tpu.memory_space<hbm>>) target(%arg6 : memref<3200xf32, #tpu.memory_space<vmem>>) target_semaphore(%arg13 : memref<!tpu.dma_semaphore, #tpu.memory_space<semaphore_mem>>)
    %add3A_13 = arith.constant 0 : i32
    %add3A_14 = arith.addi %mul3A_3, %add3A_13 : i32
    %dma_start3A_15 = arith.constant 0 : i32
    %dma_start3A_16 = tpu.memref_slice %arg3[%dma_start3A_15, %add3A_14] : memref<2x320000xi32, #tpu.memory_space<hbm>> -> memref<2x3200xi32, #tpu.memory_space<hbm>>
    %dma_start3A_17 = arith.constant 0 : i32
    %dma_start3A_18 = tpu.memref_slice %arg3[%dma_start3A_17, %add3A_14] : memref<2x320000xi32, #tpu.memory_space<hbm>> -> memref<2x3200xi32, #tpu.memory_space<hbm>>
    tpu.enqueue_dma source(%dma_start3A_18 : memref<2x3200xi32, #tpu.memory_space<hbm>>) target(%arg8 : memref<2x3200xi32, #tpu.memory_space<vmem>>) target_semaphore(%arg15 : memref<!tpu.dma_semaphore, #tpu.memory_space<semaphore_mem>>)
    %add3A_19 = arith.constant 3200 : i32
    %add3A_20 = arith.addi %mul3A_3, %add3A_19 : i32
    %dma_start3A_21 = tpu.memref_slice %arg2[%arg1, %add3A_20] : memref<16x320000xf32, #tpu.memory_space<hbm>> -> memref<1x3200xf32, #tpu.memory_space<hbm>>
    %dma_start3A_22 = tpu.memref_squeeze %dma_start3A_21 : memref<1x3200xf32, #tpu.memory_space<hbm>> -> memref<3200xf32, #tpu.memory_space<hbm>>
    %dma_start3A_23 = tpu.memref_slice %arg2[%arg1, %add3A_20] : memref<16x320000xf32, #tpu.memory_space<hbm>> -> memref<1x3200xf32, #tpu.memory_space<hbm>>
    %dma_start3A_24 = tpu.memref_squeeze %dma_start3A_23 : memref<1x3200xf32, #tpu.memory_space<hbm>> -> memref<3200xf32, #tpu.memory_space<hbm>>
    tpu.enqueue_dma source(%dma_start3A_24 : memref<3200xf32, #tpu.memory_space<hbm>>) target(%arg7 : memref<3200xf32, #tpu.memory_space<vmem>>) target_semaphore(%arg14 : memref<!tpu.dma_semaphore, #tpu.memory_space<semaphore_mem>>)
    %add3A_25 = arith.constant 3200 : i32
    %add3A_26 = arith.addi %mul3A_3, %add3A_25 : i32
    %dma_start3A_27 = arith.constant 0 : i32
    %dma_start3A_28 = tpu.memref_slice %arg3[%dma_start3A_27, %add3A_26] : memref<2x320000xi32, #tpu.memory_space<hbm>> -> memref<2x3200xi32, #tpu.memory_space<hbm>>
    %dma_start3A_29 = arith.constant 0 : i32
    %dma_start3A_30 = tpu.memref_slice %arg3[%dma_start3A_29, %add3A_26] : memref<2x320000xi32, #tpu.memory_space<hbm>> -> memref<2x3200xi32, #tpu.memory_space<hbm>>
    tpu.enqueue_dma source(%dma_start3A_30 : memref<2x3200xi32, #tpu.memory_space<hbm>>) target(%arg9 : memref<2x3200xi32, #tpu.memory_space<vmem>>) target_semaphore(%arg16 : memref<!tpu.dma_semaphore, #tpu.memory_space<semaphore_mem>>)
    %mul3A_31 = arith.constant 2 : i32
    %mul3A_32 = arith.muli %arg1, %mul3A_31 : i32
    %add3A_33 = arith.addi %mul3A_32, %arg0 : i32
    %ge3A = arith.constant 28 : i32
    %ge3A_34 = arith.cmpi sge, %add3A_33, %ge3A : i32
    %convert_element_type3A = arith.extui %ge3A_34 : i1 to i32
    %add3A_35 = arith.constant 78 : i32
    %add3A_36 = arith.addi %add3A_35, %convert_element_type3A : i32
    %mul3A_37 = arith.constant 78 : i32
    %mul3A_38 = arith.muli %mul3A_37, %add3A_33 : i32
    %sub3A = arith.constant 28 : i32
    %sub3A_39 = arith.subi %add3A_33, %sub3A : i32
    %max3A = arith.constant 0 : i32
    %max3A_40 = arith.maxsi %sub3A_39, %max3A : i32
    %add3A_41 = arith.addi %mul3A_38, %max3A_40 : i32
    %mul3A_42 = arith.constant 128 : i32
    %mul3A_43 = arith.muli %add3A_41, %mul3A_42 : i32
    "tpu.region"() ({
      %run_scoped3A = tpu.sem_alloc : memref<!tpu.dma_semaphore, #tpu.memory_space<semaphore_mem>>
      %dma_start3A_59 = arith.constant 0 : i32
      %dma_start3A_60 = tpu.memref_slice %arg3[%dma_start3A_59, %mul3A_43] : memref<2x320000xi32, #tpu.memory_space<hbm>> -> memref<2x10112xi32, #tpu.memory_space<hbm>>
      %dma_start3A_61 = arith.constant 0 : i32
      %dma_start3A_62 = tpu.memref_slice %arg3[%dma_start3A_61, %mul3A_43] : memref<2x320000xi32, #tpu.memory_space<hbm>> -> memref<2x10112xi32, #tpu.memory_space<hbm>>
      tpu.enqueue_dma source(%dma_start3A_62 : memref<2x10112xi32, #tpu.memory_space<hbm>>) target(%arg10 : memref<2x10112xi32, #tpu.memory_space<vmem>>) target_semaphore(%run_scoped3A : memref<!tpu.dma_semaphore, #tpu.memory_space<semaphore_mem>>)
      %dma_wait3A = arith.constant 0 : i32
      %dma_wait3A_63 = tpu.memref_slice %arg3[%dma_wait3A, %mul3A_43] : memref<2x320000xi32, #tpu.memory_space<hbm>> -> memref<2x10112xi32, #tpu.memory_space<hbm>>
      %dma_wait3A_64 = arith.constant 0 : i32
      %dma_wait3A_65 = tpu.memref_slice %arg3[%dma_wait3A_64, %mul3A_43] : memref<2x320000xi32, #tpu.memory_space<hbm>> -> memref<2x10112xi32, #tpu.memory_space<hbm>>
      tpu.wait_dma2 semaphore(%run_scoped3A : memref<!tpu.dma_semaphore, #tpu.memory_space<semaphore_mem>>) src(%dma_wait3A_65 : memref<2x10112xi32, #tpu.memory_space<hbm>>) dst(%arg10 : memref<2x10112xi32, #tpu.memory_space<vmem>>)
      tpu.yield
    }) : () -> ()
    %while3A = arith.constant 0 : i32
    %while3A_44 = arith.constant 0 : i32
    %while3A_45 = arith.subi %add3A_36, %while3A_44 : i32
    %while3A_46 = arith.addi %while3A_44, %while3A_45 : i32
    %while3A_47 = arith.constant 1 : i32
    %while3A_48 = arith.divsi %while3A_45, %while3A_47 : i32
    %while3A_49 = arith.muli %while3A_48, %while3A_47 : i32
    %while3A_50 = arith.addi %while3A_44, %while3A_49 : i32
    %while3A_51 = arith.constant 1 : i32
    scf.for %while3A_59 = %while3A_44 to %while3A_50 step %while3A_51  : i32 {
      %mul3A_60 = arith.constant 8 : i32
      %mul3A_61 = arith.muli %while3A_59, %mul3A_60 : i32
      %add3A_62 = arith.constant 0 : i32
      %add3A_63 = arith.addi %mul3A_61, %add3A_62 : i32
      %mul3A_64 = arith.constant 16 : i32
      %mul3A_65 = arith.muli %add3A_63, %mul3A_64 : i32
      %get3A = arith.constant 1 : i32
      %get3A_66 = arith.index_cast %get3A : i32 to index
      %get3A_67 = arith.index_cast %mul3A_65 : i32 to index
      %get3A_68 = tpu.vector_load %arg10[%get3A_66, %get3A_67] {strides = array<i32>} : memref<2x10112xi32, #tpu.memory_space<vmem>>, vector<16xi32>,
      %mul3A_69 = arith.constant 8 : i32
      %mul3A_70 = arith.muli %while3A_59, %mul3A_69 : i32
      %add3A_71 = arith.constant 1 : i32
      %add3A_72 = arith.addi %mul3A_70, %add3A_71 : i32
      %mul3A_73 = arith.constant 16 : i32
      %mul3A_74 = arith.muli %add3A_72, %mul3A_73 : i32
      %get3A_75 = arith.constant 1 : i32
      %get3A_76 = arith.index_cast %get3A_75 : i32 to index
      %get3A_77 = arith.index_cast %mul3A_74 : i32 to index
      %get3A_78 = tpu.vector_load %arg10[%get3A_76, %get3A_77] {strides = array<i32>} : memref<2x10112xi32, #tpu.memory_space<vmem>>, vector<16xi32>,
      %mul3A_79 = arith.constant 8 : i32
      %mul3A_80 = arith.muli %while3A_59, %mul3A_79 : i32
      %add3A_81 = arith.constant 2 : i32
      %add3A_82 = arith.addi %mul3A_80, %add3A_81 : i32
      %mul3A_83 = arith.constant 16 : i32
      %mul3A_84 = arith.muli %add3A_82, %mul3A_83 : i32
      %get3A_85 = arith.constant 1 : i32
      %get3A_86 = arith.index_cast %get3A_85 : i32 to index
      %get3A_87 = arith.index_cast %mul3A_84 : i32 to index
      %get3A_88 = tpu.vector_load %arg10[%get3A_86, %get3A_87] {strides = array<i32>} : memref<2x10112xi32, #tpu.memory_space<vmem>>, vector<16xi32>,
      %mul3A_89 = arith.constant 8 : i32
      %mul3A_90 = arith.muli %while3A_59, %mul3A_89 : i32
      %add3A_91 = arith.constant 3 : i32
      %add3A_92 = arith.addi %mul3A_90, %add3A_91 : i32
      %mul3A_93 = arith.constant 16 : i32
      %mul3A_94 = arith.muli %add3A_92, %mul3A_93 : i32
      %get3A_95 = arith.constant 1 : i32
      %get3A_96 = arith.index_cast %get3A_95 : i32 to index
      %get3A_97 = arith.index_cast %mul3A_94 : i32 to index
      %get3A_98 = tpu.vector_load %arg10[%get3A_96, %get3A_97] {strides = array<i32>} : memref<2x10112xi32, #tpu.memory_space<vmem>>, vector<16xi32>,
      %mul3A_99 = arith.constant 8 : i32
      %mul3A_100 = arith.muli %while3A_59, %mul3A_99 : i32
      %add3A_101 = arith.constant 4 : i32
      %add3A_102 = arith.addi %mul3A_100, %add3A_101 : i32
      %mul3A_103 = arith.constant 16 : i32
      %mul3A_104 = arith.muli %add3A_102, %mul3A_103 : i32
      %get3A_105 = arith.constant 1 : i32
      %get3A_106 = arith.index_cast %get3A_105 : i32 to index
      %get3A_107 = arith.index_cast %mul3A_104 : i32 to index
      %get3A_108 = tpu.vector_load %arg10[%get3A_106, %get3A_107] {strides = array<i32>} : memref<2x10112xi32, #tpu.memory_space<vmem>>, vector<16xi32>,
      %mul3A_109 = arith.constant 8 : i32
      %mul3A_110 = arith.muli %while3A_59, %mul3A_109 : i32
      %add3A_111 = arith.constant 5 : i32
      %add3A_112 = arith.addi %mul3A_110, %add3A_111 : i32
      %mul3A_113 = arith.constant 16 : i32
      %mul3A_114 = arith.muli %add3A_112, %mul3A_113 : i32
      %get3A_115 = arith.constant 1 : i32
      %get3A_116 = arith.index_cast %get3A_115 : i32 to index
      %get3A_117 = arith.index_cast %mul3A_114 : i32 to index
      %get3A_118 = tpu.vector_load %arg10[%get3A_116, %get3A_117] {strides = array<i32>} : memref<2x10112xi32, #tpu.memory_space<vmem>>, vector<16xi32>,
      %mul3A_119 = arith.constant 8 : i32
      %mul3A_120 = arith.muli %while3A_59, %mul3A_119 : i32
      %add3A_121 = arith.constant 6 : i32
      %add3A_122 = arith.addi %mul3A_120, %add3A_121 : i32
      %mul3A_123 = arith.constant 16 : i32
      %mul3A_124 = arith.muli %add3A_122, %mul3A_123 : i32
      %get3A_125 = arith.constant 1 : i32
      %get3A_126 = arith.index_cast %get3A_125 : i32 to index
      %get3A_127 = arith.index_cast %mul3A_124 : i32 to index
      %get3A_128 = tpu.vector_load %arg10[%get3A_126, %get3A_127] {strides = array<i32>} : memref<2x10112xi32, #tpu.memory_space<vmem>>, vector<16xi32>,
      %mul3A_129 = arith.constant 8 : i32
      %mul3A_130 = arith.muli %while3A_59, %mul3A_129 : i32
      %add3A_131 = arith.constant 7 : i32
      %add3A_132 = arith.addi %mul3A_130, %add3A_131 : i32
      %mul3A_133 = arith.constant 16 : i32
      %mul3A_134 = arith.muli %add3A_132, %mul3A_133 : i32
      %get3A_135 = arith.constant 1 : i32
      %get3A_136 = arith.index_cast %get3A_135 : i32 to index
      %get3A_137 = arith.index_cast %mul3A_134 : i32 to index
      %get3A_138 = tpu.vector_load %arg10[%get3A_136, %get3A_137] {strides = array<i32>} : memref<2x10112xi32, #tpu.memory_space<vmem>>, vector<16xi32>,
      tpu.vector_store_idx %arg12[%get3A_68], %broadcast_in_dim3A_2 {add = true} : memref<10240xf32, #tpu.memory_space<vmem>>[vector<16xi32>], vector<16xf32>,
      tpu.vector_store_idx %arg12[%get3A_78], %broadcast_in_dim3A_2 {add = true} : memref<10240xf32, #tpu.memory_space<vmem>>[vector<16xi32>], vector<16xf32>,
      tpu.vector_store_idx %arg12[%get3A_88], %broadcast_in_dim3A_2 {add = true} : memref<10240xf32, #tpu.memory_space<vmem>>[vector<16xi32>], vector<16xf32>,
      tpu.vector_store_idx %arg12[%get3A_98], %broadcast_in_dim3A_2 {add = true} : memref<10240xf32, #tpu.memory_space<vmem>>[vector<16xi32>], vector<16xf32>,
      tpu.vector_store_idx %arg12[%get3A_108], %broadcast_in_dim3A_2 {add = true} : memref<10240xf32, #tpu.memory_space<vmem>>[vector<16xi32>], vector<16xf32>,
      tpu.vector_store_idx %arg12[%get3A_118], %broadcast_in_dim3A_2 {add = true} : memref<10240xf32, #tpu.memory_space<vmem>>[vector<16xi32>], vector<16xf32>,
      tpu.vector_store_idx %arg12[%get3A_128], %broadcast_in_dim3A_2 {add = true} : memref<10240xf32, #tpu.memory_space<vmem>>[vector<16xi32>], vector<16xf32>,
      tpu.vector_store_idx %arg12[%get3A_138], %broadcast_in_dim3A_2 {add = true} : memref<10240xf32, #tpu.memory_space<vmem>>[vector<16xi32>], vector<16xf32>,
    }
    %while3A_52 = arith.constant 1 : i32
    scf.for %while3A_59 = %while3A_50 to %while3A_46 step %while3A_52  : i32 {
      %mul3A_60 = arith.constant 8 : i32
      %mul3A_61 = arith.muli %while3A_59, %mul3A_60 : i32
      %add3A_62 = arith.constant 0 : i32
      %add3A_63 = arith.addi %mul3A_61, %add3A_62 : i32
      %mul3A_64 = arith.constant 16 : i32
      %mul3A_65 = arith.muli %add3A_63, %mul3A_64 : i32
      %get3A = arith.constant 1 : i32
      %get3A_66 = arith.index_cast %get3A : i32 to index
      %get3A_67 = arith.index_cast %mul3A_65 : i32 to index
      %get3A_68 = tpu.vector_load %arg10[%get3A_66, %get3A_67] {strides = array<i32>} : memref<2x10112xi32, #tpu.memory_space<vmem>>, vector<16xi32>,
      %mul3A_69 = arith.constant 8 : i32
      %mul3A_70 = arith.muli %while3A_59, %mul3A_69 : i32
      %add3A_71 = arith.constant 1 : i32
      %add3A_72 = arith.addi %mul3A_70, %add3A_71 : i32
      %mul3A_73 = arith.constant 16 : i32
      %mul3A_74 = arith.muli %add3A_72, %mul3A_73 : i32
      %get3A_75 = arith.constant 1 : i32
      %get3A_76 = arith.index_cast %get3A_75 : i32 to index
      %get3A_77 = arith.index_cast %mul3A_74 : i32 to index
      %get3A_78 = tpu.vector_load %arg10[%get3A_76, %get3A_77] {strides = array<i32>} : memref<2x10112xi32, #tpu.memory_space<vmem>>, vector<16xi32>,
      %mul3A_79 = arith.constant 8 : i32
      %mul3A_80 = arith.muli %while3A_59, %mul3A_79 : i32
      %add3A_81 = arith.constant 2 : i32
      %add3A_82 = arith.addi %mul3A_80, %add3A_81 : i32
      %mul3A_83 = arith.constant 16 : i32
      %mul3A_84 = arith.muli %add3A_82, %mul3A_83 : i32
      %get3A_85 = arith.constant 1 : i32
      %get3A_86 = arith.index_cast %get3A_85 : i32 to index
      %get3A_87 = arith.index_cast %mul3A_84 : i32 to index
      %get3A_88 = tpu.vector_load %arg10[%get3A_86, %get3A_87] {strides = array<i32>} : memref<2x10112xi32, #tpu.memory_space<vmem>>, vector<16xi32>,
      %mul3A_89 = arith.constant 8 : i32
      %mul3A_90 = arith.muli %while3A_59, %mul3A_89 : i32
      %add3A_91 = arith.constant 3 : i32
      %add3A_92 = arith.addi %mul3A_90, %add3A_91 : i32
      %mul3A_93 = arith.constant 16 : i32
      %mul3A_94 = arith.muli %add3A_92, %mul3A_93 : i32
      %get3A_95 = arith.constant 1 : i32
      %get3A_96 = arith.index_cast %get3A_95 : i32 to index
      %get3A_97 = arith.index_cast %mul3A_94 : i32 to index
      %get3A_98 = tpu.vector_load %arg10[%get3A_96, %get3A_97] {strides = array<i32>} : memref<2x10112xi32, #tpu.memory_space<vmem>>, vector<16xi32>,
      %mul3A_99 = arith.constant 8 : i32
      %mul3A_100 = arith.muli %while3A_59, %mul3A_99 : i32
      %add3A_101 = arith.constant 4 : i32
      %add3A_102 = arith.addi %mul3A_100, %add3A_101 : i32
      %mul3A_103 = arith.constant 16 : i32
      %mul3A_104 = arith.muli %add3A_102, %mul3A_103 : i32
      %get3A_105 = arith.constant 1 : i32
      %get3A_106 = arith.index_cast %get3A_105 : i32 to index
      %get3A_107 = arith.index_cast %mul3A_104 : i32 to index
      %get3A_108 = tpu.vector_load %arg10[%get3A_106, %get3A_107] {strides = array<i32>} : memref<2x10112xi32, #tpu.memory_space<vmem>>, vector<16xi32>,
      %mul3A_109 = arith.constant 8 : i32
      %mul3A_110 = arith.muli %while3A_59, %mul3A_109 : i32
      %add3A_111 = arith.constant 5 : i32
      %add3A_112 = arith.addi %mul3A_110, %add3A_111 : i32
      %mul3A_113 = arith.constant 16 : i32
      %mul3A_114 = arith.muli %add3A_112, %mul3A_113 : i32
      %get3A_115 = arith.constant 1 : i32
      %get3A_116 = arith.index_cast %get3A_115 : i32 to index
      %get3A_117 = arith.index_cast %mul3A_114 : i32 to index
      %get3A_118 = tpu.vector_load %arg10[%get3A_116, %get3A_117] {strides = array<i32>} : memref<2x10112xi32, #tpu.memory_space<vmem>>, vector<16xi32>,
      %mul3A_119 = arith.constant 8 : i32
      %mul3A_120 = arith.muli %while3A_59, %mul3A_119 : i32
      %add3A_121 = arith.constant 6 : i32
      %add3A_122 = arith.addi %mul3A_120, %add3A_121 : i32
      %mul3A_123 = arith.constant 16 : i32
      %mul3A_124 = arith.muli %add3A_122, %mul3A_123 : i32
      %get3A_125 = arith.constant 1 : i32
      %get3A_126 = arith.index_cast %get3A_125 : i32 to index
      %get3A_127 = arith.index_cast %mul3A_124 : i32 to index
      %get3A_128 = tpu.vector_load %arg10[%get3A_126, %get3A_127] {strides = array<i32>} : memref<2x10112xi32, #tpu.memory_space<vmem>>, vector<16xi32>,
      %mul3A_129 = arith.constant 8 : i32
      %mul3A_130 = arith.muli %while3A_59, %mul3A_129 : i32
      %add3A_131 = arith.constant 7 : i32
      %add3A_132 = arith.addi %mul3A_130, %add3A_131 : i32
      %mul3A_133 = arith.constant 16 : i32
      %mul3A_134 = arith.muli %add3A_132, %mul3A_133 : i32
      %get3A_135 = arith.constant 1 : i32
      %get3A_136 = arith.index_cast %get3A_135 : i32 to index
      %get3A_137 = arith.index_cast %mul3A_134 : i32 to index
      %get3A_138 = tpu.vector_load %arg10[%get3A_136, %get3A_137] {strides = array<i32>} : memref<2x10112xi32, #tpu.memory_space<vmem>>, vector<16xi32>,
      tpu.vector_store_idx %arg12[%get3A_68], %broadcast_in_dim3A_2 {add = true} : memref<10240xf32, #tpu.memory_space<vmem>>[vector<16xi32>], vector<16xf32>,
      tpu.vector_store_idx %arg12[%get3A_78], %broadcast_in_dim3A_2 {add = true} : memref<10240xf32, #tpu.memory_space<vmem>>[vector<16xi32>], vector<16xf32>,
      tpu.vector_store_idx %arg12[%get3A_88], %broadcast_in_dim3A_2 {add = true} : memref<10240xf32, #tpu.memory_space<vmem>>[vector<16xi32>], vector<16xf32>,
      tpu.vector_store_idx %arg12[%get3A_98], %broadcast_in_dim3A_2 {add = true} : memref<10240xf32, #tpu.memory_space<vmem>>[vector<16xi32>], vector<16xf32>,
      tpu.vector_store_idx %arg12[%get3A_108], %broadcast_in_dim3A_2 {add = true} : memref<10240xf32, #tpu.memory_space<vmem>>[vector<16xi32>], vector<16xf32>,
      tpu.vector_store_idx %arg12[%get3A_118], %broadcast_in_dim3A_2 {add = true} : memref<10240xf32, #tpu.memory_space<vmem>>[vector<16xi32>], vector<16xf32>,
      tpu.vector_store_idx %arg12[%get3A_128], %broadcast_in_dim3A_2 {add = true} : memref<10240xf32, #tpu.memory_space<vmem>>[vector<16xi32>], vector<16xf32>,
      tpu.vector_store_idx %arg12[%get3A_138], %broadcast_in_dim3A_2 {add = true} : memref<10240xf32, #tpu.memory_space<vmem>>[vector<16xi32>], vector<16xf32>,
    }
    %scan3A_53 = arith.constant 0 : i32
    %scan3A_54 = arith.constant 0 : i32
    %scan3A_55 = arith.constant 25 : i32
    %scan3A_56 = arith.addi %scan3A_54, %scan3A_55 : i32
    %scan3A_57 = arith.constant 1 : i32
    scf.for %scan3A_59 = %scan3A_54 to %scan3A_56 step %scan3A_57  : i32 {
      %mul3A_60 = arith.constant 2 : i32
      %mul3A_61 = arith.muli %mul3A_60, %scan3A_59 : i32
      %add3A_62 = arith.constant 0 : i32
      %add3A_63 = arith.addi %mul3A_61, %add3A_62 : i32
      %dma_wait3A = arith.constant 0 : i32
      %dma_wait3A_64 = tpu.memref_slice %arg2[%arg1, %dma_wait3A] : memref<16x320000xf32, #tpu.memory_space<hbm>> -> memref<1x3200xf32, #tpu.memory_space<hbm>>
      %dma_wait3A_65 = tpu.memref_squeeze %dma_wait3A_64 : memref<1x3200xf32, #tpu.memory_space<hbm>> -> memref<3200xf32, #tpu.memory_space<hbm>>
      %dma_wait3A_66 = arith.constant 0 : i32
      %dma_wait3A_67 = tpu.memref_slice %arg2[%arg1, %dma_wait3A_66] : memref<16x320000xf32, #tpu.memory_space<hbm>> -> memref<1x3200xf32, #tpu.memory_space<hbm>>
      %dma_wait3A_68 = tpu.memref_squeeze %dma_wait3A_67 : memref<1x3200xf32, #tpu.memory_space<hbm>> -> memref<3200xf32, #tpu.memory_space<hbm>>
      tpu.wait_dma2 semaphore(%arg13 : memref<!tpu.dma_semaphore, #tpu.memory_space<semaphore_mem>>) src(%dma_wait3A_68 : memref<3200xf32, #tpu.memory_space<hbm>>) dst(%arg6 : memref<3200xf32, #tpu.memory_space<vmem>>)
      %dma_wait3A_69 = arith.constant 0 : i32
      %dma_wait3A_70 = arith.constant 0 : i32
      %dma_wait3A_71 = tpu.memref_slice %arg3[%dma_wait3A_69, %dma_wait3A_70] : memref<2x320000xi32, #tpu.memory_space<hbm>> -> memref<2x3200xi32, #tpu.memory_space<hbm>>
      %dma_wait3A_72 = arith.constant 0 : i32
      %dma_wait3A_73 = arith.constant 0 : i32
      %dma_wait3A_74 = tpu.memref_slice %arg3[%dma_wait3A_72, %dma_wait3A_73] : memref<2x320000xi32, #tpu.memory_space<hbm>> -> memref<2x3200xi32, #tpu.memory_space<hbm>>
      tpu.wait_dma2 semaphore(%arg15 : memref<!tpu.dma_semaphore, #tpu.memory_space<semaphore_mem>>) src(%dma_wait3A_74 : memref<2x3200xi32, #tpu.memory_space<hbm>>) dst(%arg8 : memref<2x3200xi32, #tpu.memory_space<vmem>>)
      %scan3A_75 = arith.constant 0 : i32
      %scan3A_76 = arith.constant 0 : i32
      %scan3A_77 = arith.constant 25 : i32
      %scan3A_78 = arith.addi %scan3A_76, %scan3A_77 : i32
      %scan3A_79 = arith.constant 1 : i32
      scf.for %scan3A_115 = %scan3A_76 to %scan3A_78 step %scan3A_79  : i32 {
        %mul3A_116 = arith.constant 8 : i32
        %mul3A_117 = arith.muli %scan3A_115, %mul3A_116 : i32
        %add3A_118 = arith.constant 0 : i32
        %add3A_119 = arith.addi %mul3A_117, %add3A_118 : i32
        %mul3A_120 = arith.constant 16 : i32
        %mul3A_121 = arith.muli %add3A_119, %mul3A_120 : i32
        %get3A = arith.constant 1 : i32
        %get3A_122 = arith.index_cast %get3A : i32 to index
        %get3A_123 = arith.index_cast %mul3A_121 : i32 to index
        %get3A_124 = tpu.vector_load %arg8[%get3A_122, %get3A_123] {strides = array<i32>} : memref<2x3200xi32, #tpu.memory_space<vmem>>, vector<16xi32>,
        %mul3A_125 = arith.constant 8 : i32
        %mul3A_126 = arith.muli %scan3A_115, %mul3A_125 : i32
        %add3A_127 = arith.constant 1 : i32
        %add3A_128 = arith.addi %mul3A_126, %add3A_127 : i32
        %mul3A_129 = arith.constant 16 : i32
        %mul3A_130 = arith.muli %add3A_128, %mul3A_129 : i32
        %get3A_131 = arith.constant 1 : i32
        %get3A_132 = arith.index_cast %get3A_131 : i32 to index
        %get3A_133 = arith.index_cast %mul3A_130 : i32 to index
        %get3A_134 = tpu.vector_load %arg8[%get3A_132, %get3A_133] {strides = array<i32>} : memref<2x3200xi32, #tpu.memory_space<vmem>>, vector<16xi32>,
        %mul3A_135 = arith.constant 8 : i32
        %mul3A_136 = arith.muli %scan3A_115, %mul3A_135 : i32
        %add3A_137 = arith.constant 2 : i32
        %add3A_138 = arith.addi %mul3A_136, %add3A_137 : i32
        %mul3A_139 = arith.constant 16 : i32
        %mul3A_140 = arith.muli %add3A_138, %mul3A_139 : i32
        %get3A_141 = arith.constant 1 : i32
        %get3A_142 = arith.index_cast %get3A_141 : i32 to index
        %get3A_143 = arith.index_cast %mul3A_140 : i32 to index
        %get3A_144 = tpu.vector_load %arg8[%get3A_142, %get3A_143] {strides = array<i32>} : memref<2x3200xi32, #tpu.memory_space<vmem>>, vector<16xi32>,
        %mul3A_145 = arith.constant 8 : i32
        %mul3A_146 = arith.muli %scan3A_115, %mul3A_145 : i32
        %add3A_147 = arith.constant 3 : i32
        %add3A_148 = arith.addi %mul3A_146, %add3A_147 : i32
        %mul3A_149 = arith.constant 16 : i32
        %mul3A_150 = arith.muli %add3A_148, %mul3A_149 : i32
        %get3A_151 = arith.constant 1 : i32
        %get3A_152 = arith.index_cast %get3A_151 : i32 to index
        %get3A_153 = arith.index_cast %mul3A_150 : i32 to index
        %get3A_154 = tpu.vector_load %arg8[%get3A_152, %get3A_153] {strides = array<i32>} : memref<2x3200xi32, #tpu.memory_space<vmem>>, vector<16xi32>,
        %mul3A_155 = arith.constant 8 : i32
        %mul3A_156 = arith.muli %scan3A_115, %mul3A_155 : i32
        %add3A_157 = arith.constant 4 : i32
        %add3A_158 = arith.addi %mul3A_156, %add3A_157 : i32
        %mul3A_159 = arith.constant 16 : i32
        %mul3A_160 = arith.muli %add3A_158, %mul3A_159 : i32
        %get3A_161 = arith.constant 1 : i32
        %get3A_162 = arith.index_cast %get3A_161 : i32 to index
        %get3A_163 = arith.index_cast %mul3A_160 : i32 to index
        %get3A_164 = tpu.vector_load %arg8[%get3A_162, %get3A_163] {strides = array<i32>} : memref<2x3200xi32, #tpu.memory_space<vmem>>, vector<16xi32>,
        %mul3A_165 = arith.constant 8 : i32
        %mul3A_166 = arith.muli %scan3A_115, %mul3A_165 : i32
        %add3A_167 = arith.constant 5 : i32
        %add3A_168 = arith.addi %mul3A_166, %add3A_167 : i32
        %mul3A_169 = arith.constant 16 : i32
        %mul3A_170 = arith.muli %add3A_168, %mul3A_169 : i32
        %get3A_171 = arith.constant 1 : i32
        %get3A_172 = arith.index_cast %get3A_171 : i32 to index
        %get3A_173 = arith.index_cast %mul3A_170 : i32 to index
        %get3A_174 = tpu.vector_load %arg8[%get3A_172, %get3A_173] {strides = array<i32>} : memref<2x3200xi32, #tpu.memory_space<vmem>>, vector<16xi32>,
        %mul3A_175 = arith.constant 8 : i32
        %mul3A_176 = arith.muli %scan3A_115, %mul3A_175 : i32
        %add3A_177 = arith.constant 6 : i32
        %add3A_178 = arith.addi %mul3A_176, %add3A_177 : i32
        %mul3A_179 = arith.constant 16 : i32
        %mul3A_180 = arith.muli %add3A_178, %mul3A_179 : i32
        %get3A_181 = arith.constant 1 : i32
        %get3A_182 = arith.index_cast %get3A_181 : i32 to index
        %get3A_183 = arith.index_cast %mul3A_180 : i32 to index
        %get3A_184 = tpu.vector_load %arg8[%get3A_182, %get3A_183] {strides = array<i32>} : memref<2x3200xi32, #tpu.memory_space<vmem>>, vector<16xi32>,
        %mul3A_185 = arith.constant 8 : i32
        %mul3A_186 = arith.muli %scan3A_115, %mul3A_185 : i32
        %add3A_187 = arith.constant 7 : i32
        %add3A_188 = arith.addi %mul3A_186, %add3A_187 : i32
        %mul3A_189 = arith.constant 16 : i32
        %mul3A_190 = arith.muli %add3A_188, %mul3A_189 : i32
        %get3A_191 = arith.constant 1 : i32
        %get3A_192 = arith.index_cast %get3A_191 : i32 to index
        %get3A_193 = arith.index_cast %mul3A_190 : i32 to index
        %get3A_194 = tpu.vector_load %arg8[%get3A_192, %get3A_193] {strides = array<i32>} : memref<2x3200xi32, #tpu.memory_space<vmem>>, vector<16xi32>,
        %mul3A_195 = arith.constant 8 : i32
        %mul3A_196 = arith.muli %scan3A_115, %mul3A_195 : i32
        %add3A_197 = arith.constant 0 : i32
        %add3A_198 = arith.addi %mul3A_196, %add3A_197 : i32
        %mul3A_199 = arith.constant 16 : i32
        %mul3A_200 = arith.muli %add3A_198, %mul3A_199 : i32
        %get3A_201 = arith.index_cast %mul3A_200 : i32 to index
        %get3A_202 = tpu.vector_load %arg6[%get3A_201] {strides = array<i32>} : memref<3200xf32, #tpu.memory_space<vmem>>, vector<16xf32>,
        %mul3A_203 = arith.constant 8 : i32
        %mul3A_204 = arith.muli %scan3A_115, %mul3A_203 : i32
        %add3A_205 = arith.constant 1 : i32
        %add3A_206 = arith.addi %mul3A_204, %add3A_205 : i32
        %mul3A_207 = arith.constant 16 : i32
        %mul3A_208 = arith.muli %add3A_206, %mul3A_207 : i32
        %get3A_209 = arith.index_cast %mul3A_208 : i32 to index
        %get3A_210 = tpu.vector_load %arg6[%get3A_209] {strides = array<i32>} : memref<3200xf32, #tpu.memory_space<vmem>>, vector<16xf32>,
        %mul3A_211 = arith.constant 8 : i32
        %mul3A_212 = arith.muli %scan3A_115, %mul3A_211 : i32
        %add3A_213 = arith.constant 2 : i32
        %add3A_214 = arith.addi %mul3A_212, %add3A_213 : i32
        %mul3A_215 = arith.constant 16 : i32
        %mul3A_216 = arith.muli %add3A_214, %mul3A_215 : i32
        %get3A_217 = arith.index_cast %mul3A_216 : i32 to index
        %get3A_218 = tpu.vector_load %arg6[%get3A_217] {strides = array<i32>} : memref<3200xf32, #tpu.memory_space<vmem>>, vector<16xf32>,
        %mul3A_219 = arith.constant 8 : i32
        %mul3A_220 = arith.muli %scan3A_115, %mul3A_219 : i32
        %add3A_221 = arith.constant 3 : i32
        %add3A_222 = arith.addi %mul3A_220, %add3A_221 : i32
        %mul3A_223 = arith.constant 16 : i32
        %mul3A_224 = arith.muli %add3A_222, %mul3A_223 : i32
        %get3A_225 = arith.index_cast %mul3A_224 : i32 to index
        %get3A_226 = tpu.vector_load %arg6[%get3A_225] {strides = array<i32>} : memref<3200xf32, #tpu.memory_space<vmem>>, vector<16xf32>,
        %mul3A_227 = arith.constant 8 : i32
        %mul3A_228 = arith.muli %scan3A_115, %mul3A_227 : i32
        %add3A_229 = arith.constant 4 : i32
        %add3A_230 = arith.addi %mul3A_228, %add3A_229 : i32
        %mul3A_231 = arith.constant 16 : i32
        %mul3A_232 = arith.muli %add3A_230, %mul3A_231 : i32
        %get3A_233 = arith.index_cast %mul3A_232 : i32 to index
        %get3A_234 = tpu.vector_load %arg6[%get3A_233] {strides = array<i32>} : memref<3200xf32, #tpu.memory_space<vmem>>, vector<16xf32>,
        %mul3A_235 = arith.constant 8 : i32
        %mul3A_236 = arith.muli %scan3A_115, %mul3A_235 : i32
        %add3A_237 = arith.constant 5 : i32
        %add3A_238 = arith.addi %mul3A_236, %add3A_237 : i32
        %mul3A_239 = arith.constant 16 : i32
        %mul3A_240 = arith.muli %add3A_238, %mul3A_239 : i32
        %get3A_241 = arith.index_cast %mul3A_240 : i32 to index
        %get3A_242 = tpu.vector_load %arg6[%get3A_241] {strides = array<i32>} : memref<3200xf32, #tpu.memory_space<vmem>>, vector<16xf32>,
        %mul3A_243 = arith.constant 8 : i32
        %mul3A_244 = arith.muli %scan3A_115, %mul3A_243 : i32
        %add3A_245 = arith.constant 6 : i32
        %add3A_246 = arith.addi %mul3A_244, %add3A_245 : i32
        %mul3A_247 = arith.constant 16 : i32
        %mul3A_248 = arith.muli %add3A_246, %mul3A_247 : i32
        %get3A_249 = arith.index_cast %mul3A_248 : i32 to index
        %get3A_250 = tpu.vector_load %arg6[%get3A_249] {strides = array<i32>} : memref<3200xf32, #tpu.memory_space<vmem>>, vector<16xf32>,
        %mul3A_251 = arith.constant 8 : i32
        %mul3A_252 = arith.muli %scan3A_115, %mul3A_251 : i32
        %add3A_253 = arith.constant 7 : i32
        %add3A_254 = arith.addi %mul3A_252, %add3A_253 : i32
        %mul3A_255 = arith.constant 16 : i32
        %mul3A_256 = arith.muli %add3A_254, %mul3A_255 : i32
        %get3A_257 = arith.index_cast %mul3A_256 : i32 to index
        %get3A_258 = tpu.vector_load %arg6[%get3A_257] {strides = array<i32>} : memref<3200xf32, #tpu.memory_space<vmem>>, vector<16xf32>,
        tpu.vector_store_idx %arg11[%get3A_124], %get3A_202 {add = true} : memref<10240xf32, #tpu.memory_space<vmem>>[vector<16xi32>], vector<16xf32>,
        tpu.vector_store_idx %arg11[%get3A_134], %get3A_210 {add = true} : memref<10240xf32, #tpu.memory_space<vmem>>[vector<16xi32>], vector<16xf32>,
        tpu.vector_store_idx %arg11[%get3A_144], %get3A_218 {add = true} : memref<10240xf32, #tpu.memory_space<vmem>>[vector<16xi32>], vector<16xf32>,
        tpu.vector_store_idx %arg11[%get3A_154], %get3A_226 {add = true} : memref<10240xf32, #tpu.memory_space<vmem>>[vector<16xi32>], vector<16xf32>,
        tpu.vector_store_idx %arg11[%get3A_164], %get3A_234 {add = true} : memref<10240xf32, #tpu.memory_space<vmem>>[vector<16xi32>], vector<16xf32>,
        tpu.vector_store_idx %arg11[%get3A_174], %get3A_242 {add = true} : memref<10240xf32, #tpu.memory_space<vmem>>[vector<16xi32>], vector<16xf32>,
        tpu.vector_store_idx %arg11[%get3A_184], %get3A_250 {add = true} : memref<10240xf32, #tpu.memory_space<vmem>>[vector<16xi32>], vector<16xf32>,
        tpu.vector_store_idx %arg11[%get3A_194], %get3A_258 {add = true} : memref<10240xf32, #tpu.memory_space<vmem>>[vector<16xi32>], vector<16xf32>,
      }
      %scan3A_80 = arith.constant 25 : i32
      %add3A_81 = arith.constant 2 : i32
      %add3A_82 = arith.addi %add3A_63, %add3A_81 : i32
      %lt3A = arith.constant 50 : i32
      %lt3A_83 = arith.cmpi slt, %add3A_82, %lt3A : i32
      %convert_element_type3A_84 = arith.extui %lt3A_83 : i1 to i32
      %cond3A = arith.constant 0 : i32
      %cond3A_85 = arith.cmpi ne, %convert_element_type3A_84, %cond3A : i32
      scf.if %cond3A_85 {
        %add3A_115 = arith.constant 2 : i32
        %add3A_116 = arith.addi %add3A_63, %add3A_115 : i32
        %mul3A_117 = arith.constant 3200 : i32
        %mul3A_118 = arith.muli %add3A_116, %mul3A_117 : i32
        %add3A_119 = arith.addi %mul3A_3, %mul3A_118 : i32
        %dma_start3A_120 = tpu.memref_slice %arg2[%arg1, %add3A_119] : memref<16x320000xf32, #tpu.memory_space<hbm>> -> memref<1x3200xf32, #tpu.memory_space<hbm>>
        %dma_start3A_121 = tpu.memref_squeeze %dma_start3A_120 : memref<1x3200xf32, #tpu.memory_space<hbm>> -> memref<3200xf32, #tpu.memory_space<hbm>>
        %dma_start3A_122 = tpu.memref_slice %arg2[%arg1, %add3A_119] : memref<16x320000xf32, #tpu.memory_space<hbm>> -> memref<1x3200xf32, #tpu.memory_space<hbm>>
        %dma_start3A_123 = tpu.memref_squeeze %dma_start3A_122 : memref<1x3200xf32, #tpu.memory_space<hbm>> -> memref<3200xf32, #tpu.memory_space<hbm>>
        tpu.enqueue_dma source(%dma_start3A_123 : memref<3200xf32, #tpu.memory_space<hbm>>) target(%arg6 : memref<3200xf32, #tpu.memory_space<vmem>>) target_semaphore(%arg13 : memref<!tpu.dma_semaphore, #tpu.memory_space<semaphore_mem>>)
        %mul3A_124 = arith.constant 3200 : i32
        %mul3A_125 = arith.muli %add3A_116, %mul3A_124 : i32
        %add3A_126 = arith.addi %mul3A_3, %mul3A_125 : i32
        %dma_start3A_127 = arith.constant 0 : i32
        %dma_start3A_128 = tpu.memref_slice %arg3[%dma_start3A_127, %add3A_126] : memref<2x320000xi32, #tpu.memory_space<hbm>> -> memref<2x3200xi32, #tpu.memory_space<hbm>>
        %dma_start3A_129 = arith.constant 0 : i32
        %dma_start3A_130 = tpu.memref_slice %arg3[%dma_start3A_129, %add3A_126] : memref<2x320000xi32, #tpu.memory_space<hbm>> -> memref<2x3200xi32, #tpu.memory_space<hbm>>
        tpu.enqueue_dma source(%dma_start3A_130 : memref<2x3200xi32, #tpu.memory_space<hbm>>) target(%arg8 : memref<2x3200xi32, #tpu.memory_space<vmem>>) target_semaphore(%arg15 : memref<!tpu.dma_semaphore, #tpu.memory_space<semaphore_mem>>)
      } else {
      }
      %mul3A_86 = arith.constant 2 : i32
      %mul3A_87 = arith.muli %mul3A_86, %scan3A_59 : i32
      %add3A_88 = arith.constant 1 : i32
      %add3A_89 = arith.addi %mul3A_87, %add3A_88 : i32
      %dma_wait3A_90 = arith.constant 0 : i32
      %dma_wait3A_91 = tpu.memref_slice %arg2[%arg1, %dma_wait3A_90] : memref<16x320000xf32, #tpu.memory_space<hbm>> -> memref<1x3200xf32, #tpu.memory_space<hbm>>
      %dma_wait3A_92 = tpu.memref_squeeze %dma_wait3A_91 : memref<1x3200xf32, #tpu.memory_space<hbm>> -> memref<3200xf32, #tpu.memory_space<hbm>>
      %dma_wait3A_93 = arith.constant 0 : i32
      %dma_wait3A_94 = tpu.memref_slice %arg2[%arg1, %dma_wait3A_93] : memref<16x320000xf32, #tpu.memory_space<hbm>> -> memref<1x3200xf32, #tpu.memory_space<hbm>>
      %dma_wait3A_95 = tpu.memref_squeeze %dma_wait3A_94 : memref<1x3200xf32, #tpu.memory_space<hbm>> -> memref<3200xf32, #tpu.memory_space<hbm>>
      tpu.wait_dma2 semaphore(%arg14 : memref<!tpu.dma_semaphore, #tpu.memory_space<semaphore_mem>>) src(%dma_wait3A_95 : memref<3200xf32, #tpu.memory_space<hbm>>) dst(%arg7 : memref<3200xf32, #tpu.memory_space<vmem>>)
      %dma_wait3A_96 = arith.constant 0 : i32
      %dma_wait3A_97 = arith.constant 0 : i32
      %dma_wait3A_98 = tpu.memref_slice %arg3[%dma_wait3A_96, %dma_wait3A_97] : memref<2x320000xi32, #tpu.memory_space<hbm>> -> memref<2x3200xi32, #tpu.memory_space<hbm>>
      %dma_wait3A_99 = arith.constant 0 : i32
      %dma_wait3A_100 = arith.constant 0 : i32
      %dma_wait3A_101 = tpu.memref_slice %arg3[%dma_wait3A_99, %dma_wait3A_100] : memref<2x320000xi32, #tpu.memory_space<hbm>> -> memref<2x3200xi32, #tpu.memory_space<hbm>>
      tpu.wait_dma2 semaphore(%arg16 : memref<!tpu.dma_semaphore, #tpu.memory_space<semaphore_mem>>) src(%dma_wait3A_101 : memref<2x3200xi32, #tpu.memory_space<hbm>>) dst(%arg9 : memref<2x3200xi32, #tpu.memory_space<vmem>>)
      %scan3A_102 = arith.constant 0 : i32
      %scan3A_103 = arith.constant 0 : i32
      %scan3A_104 = arith.constant 25 : i32
      %scan3A_105 = arith.addi %scan3A_103, %scan3A_104 : i32
      %scan3A_106 = arith.constant 1 : i32
      scf.for %scan3A_115 = %scan3A_103 to %scan3A_105 step %scan3A_106  : i32 {
        %mul3A_116 = arith.constant 8 : i32
        %mul3A_117 = arith.muli %scan3A_115, %mul3A_116 : i32
        %add3A_118 = arith.constant 0 : i32
        %add3A_119 = arith.addi %mul3A_117, %add3A_118 : i32
        %mul3A_120 = arith.constant 16 : i32
        %mul3A_121 = arith.muli %add3A_119, %mul3A_120 : i32
        %get3A = arith.constant 1 : i32
        %get3A_122 = arith.index_cast %get3A : i32 to index
        %get3A_123 = arith.index_cast %mul3A_121 : i32 to index
        %get3A_124 = tpu.vector_load %arg9[%get3A_122, %get3A_123] {strides = array<i32>} : memref<2x3200xi32, #tpu.memory_space<vmem>>, vector<16xi32>,
        %mul3A_125 = arith.constant 8 : i32
        %mul3A_126 = arith.muli %scan3A_115, %mul3A_125 : i32
        %add3A_127 = arith.constant 1 : i32
        %add3A_128 = arith.addi %mul3A_126, %add3A_127 : i32
        %mul3A_129 = arith.constant 16 : i32
        %mul3A_130 = arith.muli %add3A_128, %mul3A_129 : i32
        %get3A_131 = arith.constant 1 : i32
        %get3A_132 = arith.index_cast %get3A_131 : i32 to index
        %get3A_133 = arith.index_cast %mul3A_130 : i32 to index
        %get3A_134 = tpu.vector_load %arg9[%get3A_132, %get3A_133] {strides = array<i32>} : memref<2x3200xi32, #tpu.memory_space<vmem>>, vector<16xi32>,
        %mul3A_135 = arith.constant 8 : i32
        %mul3A_136 = arith.muli %scan3A_115, %mul3A_135 : i32
        %add3A_137 = arith.constant 2 : i32
        %add3A_138 = arith.addi %mul3A_136, %add3A_137 : i32
        %mul3A_139 = arith.constant 16 : i32
        %mul3A_140 = arith.muli %add3A_138, %mul3A_139 : i32
        %get3A_141 = arith.constant 1 : i32
        %get3A_142 = arith.index_cast %get3A_141 : i32 to index
        %get3A_143 = arith.index_cast %mul3A_140 : i32 to index
        %get3A_144 = tpu.vector_load %arg9[%get3A_142, %get3A_143] {strides = array<i32>} : memref<2x3200xi32, #tpu.memory_space<vmem>>, vector<16xi32>,
        %mul3A_145 = arith.constant 8 : i32
        %mul3A_146 = arith.muli %scan3A_115, %mul3A_145 : i32
        %add3A_147 = arith.constant 3 : i32
        %add3A_148 = arith.addi %mul3A_146, %add3A_147 : i32
        %mul3A_149 = arith.constant 16 : i32
        %mul3A_150 = arith.muli %add3A_148, %mul3A_149 : i32
        %get3A_151 = arith.constant 1 : i32
        %get3A_152 = arith.index_cast %get3A_151 : i32 to index
        %get3A_153 = arith.index_cast %mul3A_150 : i32 to index
        %get3A_154 = tpu.vector_load %arg9[%get3A_152, %get3A_153] {strides = array<i32>} : memref<2x3200xi32, #tpu.memory_space<vmem>>, vector<16xi32>,
        %mul3A_155 = arith.constant 8 : i32
        %mul3A_156 = arith.muli %scan3A_115, %mul3A_155 : i32
        %add3A_157 = arith.constant 4 : i32
        %add3A_158 = arith.addi %mul3A_156, %add3A_157 : i32
        %mul3A_159 = arith.constant 16 : i32
        %mul3A_160 = arith.muli %add3A_158, %mul3A_159 : i32
        %get3A_161 = arith.constant 1 : i32
        %get3A_162 = arith.index_cast %get3A_161 : i32 to index
        %get3A_163 = arith.index_cast %mul3A_160 : i32 to index
        %get3A_164 = tpu.vector_load %arg9[%get3A_162, %get3A_163] {strides = array<i32>} : memref<2x3200xi32, #tpu.memory_space<vmem>>, vector<16xi32>,
        %mul3A_165 = arith.constant 8 : i32
        %mul3A_166 = arith.muli %scan3A_115, %mul3A_165 : i32
        %add3A_167 = arith.constant 5 : i32
        %add3A_168 = arith.addi %mul3A_166, %add3A_167 : i32
        %mul3A_169 = arith.constant 16 : i32
        %mul3A_170 = arith.muli %add3A_168, %mul3A_169 : i32
        %get3A_171 = arith.constant 1 : i32
        %get3A_172 = arith.index_cast %get3A_171 : i32 to index
        %get3A_173 = arith.index_cast %mul3A_170 : i32 to index
        %get3A_174 = tpu.vector_load %arg9[%get3A_172, %get3A_173] {strides = array<i32>} : memref<2x3200xi32, #tpu.memory_space<vmem>>, vector<16xi32>,
        %mul3A_175 = arith.constant 8 : i32
        %mul3A_176 = arith.muli %scan3A_115, %mul3A_175 : i32
        %add3A_177 = arith.constant 6 : i32
        %add3A_178 = arith.addi %mul3A_176, %add3A_177 : i32
        %mul3A_179 = arith.constant 16 : i32
        %mul3A_180 = arith.muli %add3A_178, %mul3A_179 : i32
        %get3A_181 = arith.constant 1 : i32
        %get3A_182 = arith.index_cast %get3A_181 : i32 to index
        %get3A_183 = arith.index_cast %mul3A_180 : i32 to index
        %get3A_184 = tpu.vector_load %arg9[%get3A_182, %get3A_183] {strides = array<i32>} : memref<2x3200xi32, #tpu.memory_space<vmem>>, vector<16xi32>,
        %mul3A_185 = arith.constant 8 : i32
        %mul3A_186 = arith.muli %scan3A_115, %mul3A_185 : i32
        %add3A_187 = arith.constant 7 : i32
        %add3A_188 = arith.addi %mul3A_186, %add3A_187 : i32
        %mul3A_189 = arith.constant 16 : i32
        %mul3A_190 = arith.muli %add3A_188, %mul3A_189 : i32
        %get3A_191 = arith.constant 1 : i32
        %get3A_192 = arith.index_cast %get3A_191 : i32 to index
        %get3A_193 = arith.index_cast %mul3A_190 : i32 to index
        %get3A_194 = tpu.vector_load %arg9[%get3A_192, %get3A_193] {strides = array<i32>} : memref<2x3200xi32, #tpu.memory_space<vmem>>, vector<16xi32>,
        %mul3A_195 = arith.constant 8 : i32
        %mul3A_196 = arith.muli %scan3A_115, %mul3A_195 : i32
        %add3A_197 = arith.constant 0 : i32
        %add3A_198 = arith.addi %mul3A_196, %add3A_197 : i32
        %mul3A_199 = arith.constant 16 : i32
        %mul3A_200 = arith.muli %add3A_198, %mul3A_199 : i32
        %get3A_201 = arith.index_cast %mul3A_200 : i32 to index
        %get3A_202 = tpu.vector_load %arg7[%get3A_201] {strides = array<i32>} : memref<3200xf32, #tpu.memory_space<vmem>>, vector<16xf32>,
        %mul3A_203 = arith.constant 8 : i32
        %mul3A_204 = arith.muli %scan3A_115, %mul3A_203 : i32
        %add3A_205 = arith.constant 1 : i32
        %add3A_206 = arith.addi %mul3A_204, %add3A_205 : i32
        %mul3A_207 = arith.constant 16 : i32
        %mul3A_208 = arith.muli %add3A_206, %mul3A_207 : i32
        %get3A_209 = arith.index_cast %mul3A_208 : i32 to index
        %get3A_210 = tpu.vector_load %arg7[%get3A_209] {strides = array<i32>} : memref<3200xf32, #tpu.memory_space<vmem>>, vector<16xf32>,
        %mul3A_211 = arith.constant 8 : i32
        %mul3A_212 = arith.muli %scan3A_115, %mul3A_211 : i32
        %add3A_213 = arith.constant 2 : i32
        %add3A_214 = arith.addi %mul3A_212, %add3A_213 : i32
        %mul3A_215 = arith.constant 16 : i32
        %mul3A_216 = arith.muli %add3A_214, %mul3A_215 : i32
        %get3A_217 = arith.index_cast %mul3A_216 : i32 to index
        %get3A_218 = tpu.vector_load %arg7[%get3A_217] {strides = array<i32>} : memref<3200xf32, #tpu.memory_space<vmem>>, vector<16xf32>,
        %mul3A_219 = arith.constant 8 : i32
        %mul3A_220 = arith.muli %scan3A_115, %mul3A_219 : i32
        %add3A_221 = arith.constant 3 : i32
        %add3A_222 = arith.addi %mul3A_220, %add3A_221 : i32
        %mul3A_223 = arith.constant 16 : i32
        %mul3A_224 = arith.muli %add3A_222, %mul3A_223 : i32
        %get3A_225 = arith.index_cast %mul3A_224 : i32 to index
        %get3A_226 = tpu.vector_load %arg7[%get3A_225] {strides = array<i32>} : memref<3200xf32, #tpu.memory_space<vmem>>, vector<16xf32>,
        %mul3A_227 = arith.constant 8 : i32
        %mul3A_228 = arith.muli %scan3A_115, %mul3A_227 : i32
        %add3A_229 = arith.constant 4 : i32
        %add3A_230 = arith.addi %mul3A_228, %add3A_229 : i32
        %mul3A_231 = arith.constant 16 : i32
        %mul3A_232 = arith.muli %add3A_230, %mul3A_231 : i32
        %get3A_233 = arith.index_cast %mul3A_232 : i32 to index
        %get3A_234 = tpu.vector_load %arg7[%get3A_233] {strides = array<i32>} : memref<3200xf32, #tpu.memory_space<vmem>>, vector<16xf32>,
        %mul3A_235 = arith.constant 8 : i32
        %mul3A_236 = arith.muli %scan3A_115, %mul3A_235 : i32
        %add3A_237 = arith.constant 5 : i32
        %add3A_238 = arith.addi %mul3A_236, %add3A_237 : i32
        %mul3A_239 = arith.constant 16 : i32
        %mul3A_240 = arith.muli %add3A_238, %mul3A_239 : i32
        %get3A_241 = arith.index_cast %mul3A_240 : i32 to index
        %get3A_242 = tpu.vector_load %arg7[%get3A_241] {strides = array<i32>} : memref<3200xf32, #tpu.memory_space<vmem>>, vector<16xf32>,
        %mul3A_243 = arith.constant 8 : i32
        %mul3A_244 = arith.muli %scan3A_115, %mul3A_243 : i32
        %add3A_245 = arith.constant 6 : i32
        %add3A_246 = arith.addi %mul3A_244, %add3A_245 : i32
        %mul3A_247 = arith.constant 16 : i32
        %mul3A_248 = arith.muli %add3A_246, %mul3A_247 : i32
        %get3A_249 = arith.index_cast %mul3A_248 : i32 to index
        %get3A_250 = tpu.vector_load %arg7[%get3A_249] {strides = array<i32>} : memref<3200xf32, #tpu.memory_space<vmem>>, vector<16xf32>,
        %mul3A_251 = arith.constant 8 : i32
        %mul3A_252 = arith.muli %scan3A_115, %mul3A_251 : i32
        %add3A_253 = arith.constant 7 : i32
        %add3A_254 = arith.addi %mul3A_252, %add3A_253 : i32
        %mul3A_255 = arith.constant 16 : i32
        %mul3A_256 = arith.muli %add3A_254, %mul3A_255 : i32
        %get3A_257 = arith.index_cast %mul3A_256 : i32 to index
        %get3A_258 = tpu.vector_load %arg7[%get3A_257] {strides = array<i32>} : memref<3200xf32, #tpu.memory_space<vmem>>, vector<16xf32>,
        tpu.vector_store_idx %arg11[%get3A_124], %get3A_202 {add = true} : memref<10240xf32, #tpu.memory_space<vmem>>[vector<16xi32>], vector<16xf32>,
        tpu.vector_store_idx %arg11[%get3A_134], %get3A_210 {add = true} : memref<10240xf32, #tpu.memory_space<vmem>>[vector<16xi32>], vector<16xf32>,
        tpu.vector_store_idx %arg11[%get3A_144], %get3A_218 {add = true} : memref<10240xf32, #tpu.memory_space<vmem>>[vector<16xi32>], vector<16xf32>,
        tpu.vector_store_idx %arg11[%get3A_154], %get3A_226 {add = true} : memref<10240xf32, #tpu.memory_space<vmem>>[vector<16xi32>], vector<16xf32>,
        tpu.vector_store_idx %arg11[%get3A_164], %get3A_234 {add = true} : memref<10240xf32, #tpu.memory_space<vmem>>[vector<16xi32>], vector<16xf32>,
        tpu.vector_store_idx %arg11[%get3A_174], %get3A_242 {add = true} : memref<10240xf32, #tpu.memory_space<vmem>>[vector<16xi32>], vector<16xf32>,
        tpu.vector_store_idx %arg11[%get3A_184], %get3A_250 {add = true} : memref<10240xf32, #tpu.memory_space<vmem>>[vector<16xi32>], vector<16xf32>,
        tpu.vector_store_idx %arg11[%get3A_194], %get3A_258 {add = true} : memref<10240xf32, #tpu.memory_space<vmem>>[vector<16xi32>], vector<16xf32>,
      }
      %scan3A_107 = arith.constant 25 : i32
      %add3A_108 = arith.constant 2 : i32
      %add3A_109 = arith.addi %add3A_89, %add3A_108 : i32
      %lt3A_110 = arith.constant 50 : i32
      %lt3A_111 = arith.cmpi slt, %add3A_109, %lt3A_110 : i32
      %convert_element_type3A_112 = arith.extui %lt3A_111 : i1 to i32
      %cond3A_113 = arith.constant 0 : i32
      %cond3A_114 = arith.cmpi ne, %convert_element_type3A_112, %cond3A_113 : i32
      scf.if %cond3A_114 {
        %add3A_115 = arith.constant 2 : i32
        %add3A_116 = arith.addi %add3A_89, %add3A_115 : i32
        %mul3A_117 = arith.constant 3200 : i32
        %mul3A_118 = arith.muli %add3A_116, %mul3A_117 : i32
        %add3A_119 = arith.addi %mul3A_3, %mul3A_118 : i32
        %dma_start3A_120 = tpu.memref_slice %arg2[%arg1, %add3A_119] : memref<16x320000xf32, #tpu.memory_space<hbm>> -> memref<1x3200xf32, #tpu.memory_space<hbm>>
        %dma_start3A_121 = tpu.memref_squeeze %dma_start3A_120 : memref<1x3200xf32, #tpu.memory_space<hbm>> -> memref<3200xf32, #tpu.memory_space<hbm>>
        %dma_start3A_122 = tpu.memref_slice %arg2[%arg1, %add3A_119] : memref<16x320000xf32, #tpu.memory_space<hbm>> -> memref<1x3200xf32, #tpu.memory_space<hbm>>
        %dma_start3A_123 = tpu.memref_squeeze %dma_start3A_122 : memref<1x3200xf32, #tpu.memory_space<hbm>> -> memref<3200xf32, #tpu.memory_space<hbm>>
        tpu.enqueue_dma source(%dma_start3A_123 : memref<3200xf32, #tpu.memory_space<hbm>>) target(%arg7 : memref<3200xf32, #tpu.memory_space<vmem>>) target_semaphore(%arg14 : memref<!tpu.dma_semaphore, #tpu.memory_space<semaphore_mem>>)
        %mul3A_124 = arith.constant 3200 : i32
        %mul3A_125 = arith.muli %add3A_116, %mul3A_124 : i32
        %add3A_126 = arith.addi %mul3A_3, %mul3A_125 : i32
        %dma_start3A_127 = arith.constant 0 : i32
        %dma_start3A_128 = tpu.memref_slice %arg3[%dma_start3A_127, %add3A_126] : memref<2x320000xi32, #tpu.memory_space<hbm>> -> memref<2x3200xi32, #tpu.memory_space<hbm>>
        %dma_start3A_129 = arith.constant 0 : i32
        %dma_start3A_130 = tpu.memref_slice %arg3[%dma_start3A_129, %add3A_126] : memref<2x320000xi32, #tpu.memory_space<hbm>> -> memref<2x3200xi32, #tpu.memory_space<hbm>>
        tpu.enqueue_dma source(%dma_start3A_130 : memref<2x3200xi32, #tpu.memory_space<hbm>>) target(%arg9 : memref<2x3200xi32, #tpu.memory_space<vmem>>) target_semaphore(%arg16 : memref<!tpu.dma_semaphore, #tpu.memory_space<semaphore_mem>>)
      } else {
      }
    }
    %scan3A_58 = arith.constant 25 : i32
    "tpu.region"() ({
      %run_scoped3A = tpu.sem_alloc : memref<!tpu.dma_semaphore, #tpu.memory_space<semaphore_mem>>
      %dma_start3A_59 = arith.constant 0 : i32
      %dma_start3A_60 = tpu.memref_slice %arg4[%arg0, %arg1, %dma_start3A_59] : memref<2x16x10240xf32, #tpu.memory_space<hbm>> -> memref<1x1x10240xf32, #tpu.memory_space<hbm>>
      %dma_start3A_61 = tpu.memref_squeeze %dma_start3A_60 : memref<1x1x10240xf32, #tpu.memory_space<hbm>> -> memref<10240xf32, #tpu.memory_space<hbm>>
      %dma_start3A_62 = arith.constant 0 : i32
      %dma_start3A_63 = tpu.memref_slice %arg4[%arg0, %arg1, %dma_start3A_62] : memref<2x16x10240xf32, #tpu.memory_space<hbm>> -> memref<1x1x10240xf32, #tpu.memory_space<hbm>>
      %dma_start3A_64 = tpu.memref_squeeze %dma_start3A_63 : memref<1x1x10240xf32, #tpu.memory_space<hbm>> -> memref<10240xf32, #tpu.memory_space<hbm>>
      tpu.enqueue_dma source(%arg11 : memref<10240xf32, #tpu.memory_space<vmem>>) target(%dma_start3A_64 : memref<10240xf32, #tpu.memory_space<hbm>>) target_semaphore(%run_scoped3A : memref<!tpu.dma_semaphore, #tpu.memory_space<semaphore_mem>>)
      %dma_wait3A = arith.constant 0 : i32
      %dma_wait3A_65 = tpu.memref_slice %arg4[%arg0, %arg1, %dma_wait3A] : memref<2x16x10240xf32, #tpu.memory_space<hbm>> -> memref<1x1x10240xf32, #tpu.memory_space<hbm>>
      %dma_wait3A_66 = tpu.memref_squeeze %dma_wait3A_65 : memref<1x1x10240xf32, #tpu.memory_space<hbm>> -> memref<10240xf32, #tpu.memory_space<hbm>>
      %dma_wait3A_67 = arith.constant 0 : i32
      %dma_wait3A_68 = tpu.memref_slice %arg4[%arg0, %arg1, %dma_wait3A_67] : memref<2x16x10240xf32, #tpu.memory_space<hbm>> -> memref<1x1x10240xf32, #tpu.memory_space<hbm>>
      %dma_wait3A_69 = tpu.memref_squeeze %dma_wait3A_68 : memref<1x1x10240xf32, #tpu.memory_space<hbm>> -> memref<10240xf32, #tpu.memory_space<hbm>>
      tpu.wait_dma2 semaphore(%run_scoped3A : memref<!tpu.dma_semaphore, #tpu.memory_space<semaphore_mem>>) src(%arg11 : memref<10240xf32, #tpu.memory_space<vmem>>) dst(%dma_wait3A_69 : memref<10240xf32, #tpu.memory_space<hbm>>)
      tpu.yield
    }) : () -> ()
    "tpu.region"() ({
      %run_scoped3A = tpu.sem_alloc : memref<!tpu.dma_semaphore, #tpu.memory_space<semaphore_mem>>
      %dma_start3A_59 = arith.constant 0 : i32
      %dma_start3A_60 = tpu.memref_slice %arg5[%arg0, %arg1, %dma_start3A_59] : memref<2x16x10240xf32, #tpu.memory_space<hbm>> -> memref<1x1x10240xf32, #tpu.memory_space<hbm>>
      %dma_start3A_61 = tpu.memref_squeeze %dma_start3A_60 : memref<1x1x10240xf32, #tpu.memory_space<hbm>> -> memref<10240xf32, #tpu.memory_space<hbm>>
      %dma_start3A_62 = arith.constant 0 : i32
      %dma_start3A_63 = tpu.memref_slice %arg5[%arg0, %arg1, %dma_start3A_62] : memref<2x16x10240xf32, #tpu.memory_space<hbm>> -> memref<1x1x10240xf32, #tpu.memory_space<hbm>>
      %dma_start3A_64 = tpu.memref_squeeze %dma_start3A_63 : memref<1x1x10240xf32, #tpu.memory_space<hbm>> -> memref<10240xf32, #tpu.memory_space<hbm>>
      tpu.enqueue_dma source(%arg12 : memref<10240xf32, #tpu.memory_space<vmem>>) target(%dma_start3A_64 : memref<10240xf32, #tpu.memory_space<hbm>>) target_semaphore(%run_scoped3A : memref<!tpu.dma_semaphore, #tpu.memory_space<semaphore_mem>>)
      %dma_wait3A = arith.constant 0 : i32
      %dma_wait3A_65 = tpu.memref_slice %arg5[%arg0, %arg1, %dma_wait3A] : memref<2x16x10240xf32, #tpu.memory_space<hbm>> -> memref<1x1x10240xf32, #tpu.memory_space<hbm>>
      %dma_wait3A_66 = tpu.memref_squeeze %dma_wait3A_65 : memref<1x1x10240xf32, #tpu.memory_space<hbm>> -> memref<10240xf32, #tpu.memory_space<hbm>>
      %dma_wait3A_67 = arith.constant 0 : i32
      %dma_wait3A_68 = tpu.memref_slice %arg5[%arg0, %arg1, %dma_wait3A_67] : memref<2x16x10240xf32, #tpu.memory_space<hbm>> -> memref<1x1x10240xf32, #tpu.memory_space<hbm>>
      %dma_wait3A_69 = tpu.memref_squeeze %dma_wait3A_68 : memref<1x1x10240xf32, #tpu.memory_space<hbm>> -> memref<10240xf32, #tpu.memory_space<hbm>>
      tpu.wait_dma2 semaphore(%run_scoped3A : memref<!tpu.dma_semaphore, #tpu.memory_space<semaphore_mem>>) src(%arg12 : memref<10240xf32, #tpu.memory_space<vmem>>) dst(%dma_wait3A_69 : memref<10240xf32, #tpu.memory_space<hbm>>)
      tpu.yield
    }) : () -> ()
    return
  }
}

module attributes {stable_mosaic.version = 14 : i64} {
  func.func @_mlp_body(%arg0: i32, %arg1: memref<2048x128xf32, #tpu.memory_space<vmem>>, %arg2: memref<2x16x2048xf32, #tpu.memory_space<vmem>>, %arg3: memref<2x16x2048xf32, #tpu.memory_space<vmem>>, %arg4: memref<128x64xf32, #tpu.memory_space<vmem>>, %arg5: memref<16x64xf32, #tpu.memory_space<vmem>>, %arg6: memref<1x64xf32, #tpu.memory_space<vmem>>, %arg7: memref<64x128xf32, #tpu.memory_space<vmem>>, %arg8: memref<1x128xf32, #tpu.memory_space<vmem>>, %arg9: memref<2048x128xf32, #tpu.memory_space<vmem>>) attributes {dimension_semantics = [#tpu.dimension_semantics<arbitrary>], iteration_bounds = array<i64: 5>, scalar_prefetch = 0 : i64, scratch_operands = 0 : i64, tpu.core_type = #tpu.core_type<tc>, window_params = [{transform_indices = @transform_0, window_bounds = array<i64: 2048, 128>}, {transform_indices = @transform_1, window_bounds = array<i64: 2, 16, 2048>}, {transform_indices = @transform_2, window_bounds = array<i64: 2, 16, 2048>}, {pipeline_mode = #tpu.pipeline_mode<synchronous>, transform_indices = @transform_3, window_bounds = array<i64: 128, 64>}, {pipeline_mode = #tpu.pipeline_mode<synchronous>, transform_indices = @transform_4, window_bounds = array<i64: 16, 64>}, {pipeline_mode = #tpu.pipeline_mode<synchronous>, transform_indices = @transform_5, window_bounds = array<i64: 1, 64>}, {pipeline_mode = #tpu.pipeline_mode<synchronous>, transform_indices = @transform_6, window_bounds = array<i64: 64, 128>}, {pipeline_mode = #tpu.pipeline_mode<synchronous>, transform_indices = @transform_7, window_bounds = array<i64: 1, 128>}, {transform_indices = @transform_8, window_bounds = array<i64: 2048, 128>}]} {
    %get3A = arith.constant 0 : index
    %get3A_0 = arith.constant 0 : index
    %get3A_1 = vector.load %arg1[%get3A, %get3A_0] : memref<2048x128xf32, #tpu.memory_space<vmem>>, vector<2048x128xf32>
    %get3A_2 = arith.constant 0 : index
    %get3A_3 = arith.constant 0 : index
    %get3A_4 = arith.constant 0 : index
    %get3A_5 = vector.load %arg2[%get3A_2, %get3A_3, %get3A_4] : memref<2x16x2048xf32, #tpu.memory_space<vmem>>, vector<1x16x2048xf32>
    %get3A_6 = vector.shape_cast %get3A_5 : vector<1x16x2048xf32> to vector<16x2048xf32>
    %get3A_7 = arith.constant 1 : index
    %get3A_8 = arith.constant 0 : index
    %get3A_9 = arith.constant 0 : index
    %get3A_10 = vector.load %arg2[%get3A_7, %get3A_8, %get3A_9] : memref<2x16x2048xf32, #tpu.memory_space<vmem>>, vector<1x16x2048xf32>
    %get3A_11 = vector.shape_cast %get3A_10 : vector<1x16x2048xf32> to vector<16x2048xf32>
    %add3A = arith.addf %get3A_6, %get3A_11 : vector<16x2048xf32>
    %get3A_12 = arith.constant 0 : index
    %get3A_13 = arith.constant 0 : index
    %get3A_14 = arith.constant 0 : index
    %get3A_15 = vector.load %arg3[%get3A_12, %get3A_13, %get3A_14] : memref<2x16x2048xf32, #tpu.memory_space<vmem>>, vector<1x16x2048xf32>
    %get3A_16 = vector.shape_cast %get3A_15 : vector<1x16x2048xf32> to vector<16x2048xf32>
    %get3A_17 = arith.constant 1 : index
    %get3A_18 = arith.constant 0 : index
    %get3A_19 = arith.constant 0 : index
    %get3A_20 = vector.load %arg3[%get3A_17, %get3A_18, %get3A_19] : memref<2x16x2048xf32, #tpu.memory_space<vmem>>, vector<1x16x2048xf32>
    %get3A_21 = vector.shape_cast %get3A_20 : vector<1x16x2048xf32> to vector<16x2048xf32>
    %add3A_22 = arith.addf %get3A_16, %get3A_21 : vector<16x2048xf32>
    %reduce_sum3A = arith.constant dense<0.000000e+00> : vector<2048xf32>
    %reduce_sum3A_23 = vector.multi_reduction <add>, %add3A_22, %reduce_sum3A [0] : vector<16x2048xf32> to vector<2048xf32>
    %max3A = arith.constant 1.000000e+00 : f32
    %max3A_24 = vector.broadcast %max3A : f32 to vector<2048xf32>
    %max3A_25 = arith.maximumf %reduce_sum3A_23, %max3A_24 : vector<2048xf32>
    %broadcast_in_dim3A = vector.shape_cast %max3A_25 : vector<2048xf32> to vector<1x2048xf32>
    %div3A = vector.broadcast %broadcast_in_dim3A : vector<1x2048xf32> to vector<16x2048xf32>
    %div3A_26 = arith.divf %add3A, %div3A : vector<16x2048xf32>
    %get3A_27 = arith.constant 0 : index
    %get3A_28 = arith.constant 0 : index
    %get3A_29 = vector.load %arg4[%get3A_27, %get3A_28] : memref<128x64xf32, #tpu.memory_space<vmem>>, vector<128x64xf32>
    %dot_general3A = arith.constant dense<0.000000e+00> : vector<2048x64xf32>
    %dot_general3A_30 = tpu.matmul %get3A_1, %get3A_29, %dot_general3A {dimension_numbers = #tpu.dot_dimension_numbers<[1], [0], [0], [1], [0, 0, 1, 1], [], []>, transpose_lhs_hint = false} : vector<2048x128xf32>, vector<128x64xf32>, vector<2048x64xf32> -> vector<2048x64xf32>
    %get3A_31 = arith.constant 0 : index
    %get3A_32 = arith.constant 0 : index
    %get3A_33 = vector.load %arg5[%get3A_31, %get3A_32] : memref<16x64xf32, #tpu.memory_space<vmem>>, vector<16x64xf32>
    %dot_general3A_34 = arith.constant dense<0.000000e+00> : vector<2048x64xf32>
    %dot_general3A_35 = tpu.matmul %div3A_26, %get3A_33, %dot_general3A_34 {dimension_numbers = #tpu.dot_dimension_numbers<[0], [0], [1], [1], [0, 1, 1, 1], [], []>, transpose_lhs_hint = false} : vector<16x2048xf32>, vector<16x64xf32>, vector<2048x64xf32> -> vector<2048x64xf32>
    %add3A_36 = arith.addf %dot_general3A_30, %dot_general3A_35 : vector<2048x64xf32>
    %get3A_37 = arith.constant 0 : index
    %get3A_38 = arith.constant 0 : index
    %get3A_39 = vector.load %arg6[%get3A_37, %get3A_38] : memref<1x64xf32, #tpu.memory_space<vmem>>, vector<1x64xf32>
    %add3A_40 = vector.broadcast %get3A_39 : vector<1x64xf32> to vector<2048x64xf32>
    %add3A_41 = arith.addf %add3A_36, %add3A_40 : vector<2048x64xf32>
    %max3A_42 = arith.constant 0.000000e+00 : f32
    %max3A_43 = vector.broadcast %max3A_42 : f32 to vector<2048x64xf32>
    %max3A_44 = arith.maximumf %add3A_41, %max3A_43 : vector<2048x64xf32>
    %get3A_45 = arith.constant 0 : index
    %get3A_46 = arith.constant 0 : index
    %get3A_47 = vector.load %arg7[%get3A_45, %get3A_46] : memref<64x128xf32, #tpu.memory_space<vmem>>, vector<64x128xf32>
    %dot_general3A_48 = arith.constant dense<0.000000e+00> : vector<2048x128xf32>
    %dot_general3A_49 = tpu.matmul %max3A_44, %get3A_47, %dot_general3A_48 {dimension_numbers = #tpu.dot_dimension_numbers<[1], [0], [0], [1], [0, 0, 1, 1], [], []>, transpose_lhs_hint = false} : vector<2048x64xf32>, vector<64x128xf32>, vector<2048x128xf32> -> vector<2048x128xf32>
    %add3A_50 = arith.addf %get3A_1, %dot_general3A_49 : vector<2048x128xf32>
    %get3A_51 = arith.constant 0 : index
    %get3A_52 = arith.constant 0 : index
    %get3A_53 = vector.load %arg8[%get3A_51, %get3A_52] : memref<1x128xf32, #tpu.memory_space<vmem>>, vector<1x128xf32>
    %add3A_54 = vector.broadcast %get3A_53 : vector<1x128xf32> to vector<2048x128xf32>
    %add3A_55 = arith.addf %add3A_50, %add3A_54 : vector<2048x128xf32>
    %swap3A = arith.constant 0 : index
    %swap3A_56 = arith.constant 0 : index
    %swap3A_57 = vector.load %arg9[%swap3A, %swap3A_56] : memref<2048x128xf32, #tpu.memory_space<vmem>>, vector<2048x128xf32>
    tpu.vector_store %arg9[%swap3A, %swap3A_56], %add3A_55 {strides = array<i32>} : memref<2048x128xf32, #tpu.memory_space<vmem>>, vector<2048x128xf32>,
    return
  }
  func.func @transform_0(%arg0: i32) -> (i32, i32) {
    %c0_i32 = arith.constant 0 : i32
    %c0_i32_0 = arith.constant 0 : i32
    return %arg0, %c0_i32 : i32, i32
  }
  func.func @transform_1(%arg0: i32) -> (i32, i32, i32) {
    %c0_i32 = arith.constant 0 : i32
    %c0_i32_0 = arith.constant 0 : i32
    %c0_i32_1 = arith.constant 0 : i32
    return %c0_i32, %c0_i32_0, %arg0 : i32, i32, i32
  }
  func.func @transform_2(%arg0: i32) -> (i32, i32, i32) {
    %c0_i32 = arith.constant 0 : i32
    %c0_i32_0 = arith.constant 0 : i32
    %c0_i32_1 = arith.constant 0 : i32
    return %c0_i32, %c0_i32_0, %arg0 : i32, i32, i32
  }
  func.func @transform_3(%arg0: i32) -> (i32, i32) {
    %c0_i32 = arith.constant 0 : i32
    %c0_i32_0 = arith.constant 0 : i32
    %c0_i32_1 = arith.constant 0 : i32
    return %c0_i32, %c0_i32_0 : i32, i32
  }
  func.func @transform_4(%arg0: i32) -> (i32, i32) {
    %c0_i32 = arith.constant 0 : i32
    %c0_i32_0 = arith.constant 0 : i32
    %c0_i32_1 = arith.constant 0 : i32
    return %c0_i32, %c0_i32_0 : i32, i32
  }
  func.func @transform_5(%arg0: i32) -> (i32, i32) {
    %c0_i32 = arith.constant 0 : i32
    %c0_i32_0 = arith.constant 0 : i32
    %c0_i32_1 = arith.constant 0 : i32
    return %c0_i32, %c0_i32_0 : i32, i32
  }
  func.func @transform_6(%arg0: i32) -> (i32, i32) {
    %c0_i32 = arith.constant 0 : i32
    %c0_i32_0 = arith.constant 0 : i32
    %c0_i32_1 = arith.constant 0 : i32
    return %c0_i32, %c0_i32_0 : i32, i32
  }
  func.func @transform_7(%arg0: i32) -> (i32, i32) {
    %c0_i32 = arith.constant 0 : i32
    %c0_i32_0 = arith.constant 0 : i32
    %c0_i32_1 = arith.constant 0 : i32
    return %c0_i32, %c0_i32_0 : i32, i32
  }
  func.func @transform_8(%arg0: i32) -> (i32, i32) {
    %c0_i32 = arith.constant 0 : i32
    %c0_i32_0 = arith.constant 0 : i32
    return %arg0, %c0_i32 : i32, i32
  }
}

</mosaic_0001>

<sc_bundles>
// kernel: kernel.4.cloned.1.call-start
scs
__scs_entry_jumppad:
0x0: {  	(pc) =	sbr.rel $0x88, $3  }
0x1: {  	(tag) =	ssettag $0x0;
	lr =	simm.s32 $0x1  }
0x2: {  	[smem:$0x3F9A] =	sst lr;
	_ =	strace $0xD0000000  }
0x3: {  	_ = 	snop  }
0x4: {  	_ = 	snop  }
0x5: {  	_ = 	snop  }
0x6: {  	_ = 	snop  }
0x7: {  	_ = 	snop  }
__scs_overlays_trampoline_lowered:
0x8: {  	[smem:$0x3FA9] =	sst s0  }
0x9: {  	[smem:$0x3FAA] =	sst s1  }
0xa: {  	[smem:$0x3FAB] =	sst s2  }
0xb: {  	[smem:$0x3FAC] =	sst s3  }
0xc: {  	[smem:$0x3FAD] =	sst s4  }
0xd: {  	[smem:$0x3FAE] =	sst s5  }
0xe: {  	[smem:$0x3FAF] =	sst s6  }
0xf: {  	[smem:$0x3FB0] =	sst s7  }
0x10: {  	[smem:$0x3FB1] =	sst s8  }
0x11: {  	[smem:$0x3FB2] =	sst s9;
	s0 =	simm.s32 @!p0 $0x0  }
0x12: {  	s1 =	sld [smem:$0x3F98];
	s0 =	simm.s32 @p0 $0x1  }
0x13: {  	[smem:$0x3FB3] =	sst s0;
	s0 =	simm.s32 @!p1 $0x0  }
0x14: {  	s2 =	sld [smem:$0x3F97];
	s0 =	simm.s32 @p1 $0x1  }
0x15: {  	[smem:$0x3FB4] =	sst s0;
	s0 =	simm.s32 @!p2 $0x0  }
0x16: {  	s3 =	sld [smem:$0x3FDB];
	s0 =	simm.s32 @p2 $0x1  }
0x17: {  	s4 =	simm.s32 $0x1BF5;
	[smem:$0x3FB6] =	sst s0  }
0x18: {  	s0 =	sld [smem:$0x3F99];
	_ =	swait.ge [sflag:s4], $0x0  }
0x19: {  	s7 =	sld [smem:$0x3F9A]  }
0x1a: {  	s8 =	sadd.s32 $0xFFFFE003, lr  }
0x1b: {  	s9 =	sadd.s32 $0xFFFFFEF7, lr;
	s5 =	simm.s32 $0xFFFFFFFF;
	p2 =	slt.u32 s8, $0xFFFFF086  }
0x1c: {  	p1 =	slt.u32 s9, $0xF7A;
	s5 =	simm.s32 @!p2 $0x0  }
0x1d: {  	s5 =	simm.s32 @p1 $0x1;
	p0 =	seq.s32 s7, s2  }
0x1e: {  	s7 =	smul.u32 @!p0 $0xF7A, s2;
	p2 =	seq.s32 @!p0 s5, $0x0  }
0x1f: {  	s9 =	smul.u32 $0xF7A, s1;
	s8 =	simm.s32 @!p0 $0x1BF5;
	p2 =	por !p2, p0  }
0x20: {  	[sflag:s8] =	ssyncset.s32 @!p0 $0xFFFFF086;
	s6 =	sadd.s32 @!p0 s3, s7;
	s7 =	simm.s32 @!p0 $0x108  }
0x21: {  	s3 =	sadd.s32 s3, s9;
	s6 =	sadd.s32 @!p0 $0x88, s6;
	s7 =	simm.s32 @p2 $0x1082  }
0x22: {  	[simem:s7], [sflag:s8] =	dma.local @!p0 [hbm:s6], $0xF7A  }
0x23: {  	s9 =	sor.u32 $0xD0000000, s2;
	s6 =	simm.s32 $0x108;
	_ =	swait.ge @!p0 [sflag:s8], $0x0  }
0x24: {  	s3 =	sadd.s32 $0x88, s3;
	s6 =	simm.s32 @!p1 $0x1082;
	[sflag:s4] =	ssyncset.s32 $0xFFFFF086  }
0x25: {  	[simem:s6], [sflag:s4] =	dma.local [hbm:s3], $0xF7A  }
0x26: {  	[smem:$0x3F9A] =	sst s1;
	(tag) =	ssettag s2;
	_ =	strace s9  }
0x27: {  	s1 =	sld [smem:$0x3FAA]  }
0x28: {  	s2 =	sld [smem:$0x3FAB]  }
0x29: {  	s4 =	sld [smem:$0x3FAD]  }
0x2a: {  	p0 =	seq.s32 s5, $0x0;
	s5 =	sld [smem:$0x3FAE]  }
0x2b: {  	s6 =	sld [smem:$0x3FAF]  }
0x2c: {  	s7 =	sld [smem:$0x3FB0]  }
0x2d: {  	s3 =	simm.s32 $0x108;
	s8 =	sld [smem:$0x3FB1]  }
0x2e: {  	s3 =	simm.s32 @!p0 $0x1082;
	s9 =	sld [smem:$0x3FB2]  }
0x2f: {  	lr =	sadd.s32 s0, s3;
	s0 =	sld [smem:$0x3FA9]  }
0x30: {  	s3 =	sld [smem:$0x3FAC]  }
0x31: {  	[smem:$0x3FB5] =	sst s10  }
0x32: {  	s10 =	sld [smem:$0x3FB3];
	_ =	sdelay $0x3  }
0x33: {  	p0 =	seq.s32 s10, $0x1;
	s10 =	sld [smem:$0x3FB5];
	_ =	sdelay $0x3  }
0x34: {  	[smem:$0x3FB5] =	sst s10  }
0x35: {  	s10 =	sld [smem:$0x3FB4];
	_ =	sdelay $0x3  }
0x36: {  	p1 =	seq.s32 s10, $0x1;
	s10 =	sld [smem:$0x3FB5];
	_ =	sdelay $0x3  }
0x37: {  	[smem:$0x3FB5] =	sst s10  }
0x38: {  	s10 =	sld [smem:$0x3FB6]  }
0x39: {  	_ = 	snop;
	(pc) =	sbr.ind lr, $3  }
0x3a: {  	_ = 	snop  }
0x3b: {  	_ = 	snop  }
0x3c: {  	p2 =	seq.s32 s10, $0x1;
	s10 =	sld [smem:$0x3FB5]  }
0x3d: {  	_ =	shalt  }
0x3e: {  	_ =	shalt  }
0x3f: {  	_ =	shalt  }
0x40: {  	_ =	shalt  }
0x41: {  	_ =	shalt  }
0x42: {  	_ =	shalt  }
0x43: {  	_ =	shalt  }
0x44: {  	_ =	shalt  }
0x45: {  	_ =	shalt  }
0x46: {  	_ =	shalt  }
0x47: {  	_ =	shalt  }
0x48: {  	_ =	shalt  }
0x49: {  	_ =	shalt  }
0x4a: {  	_ =	shalt  }
0x4b: {  	_ =	shalt  }
0x4c: {  	_ =	shalt  }
0x4d: {  	_ =	shalt  }
0x4e: {  	_ =	shalt  }
0x4f: {  	_ =	shalt  }
0x50: {  	_ =	shalt  }
0x51: {  	_ =	shalt  }
0x52: {  	_ =	shalt  }
0x53: {  	_ =	shalt  }
0x54: {  	_ =	shalt  }
0x55: {  	_ =	shalt  }
0x56: {  	_ =	shalt  }
0x57: {  	_ =	shalt  }
0x58: {  	_ =	shalt  }
0x59: {  	_ =	shalt  }
0x5a: {  	_ =	shalt  }
0x5b: {  	_ =	shalt  }
0x5c: {  	_ =	shalt  }
0x5d: {  	_ =	shalt  }
0x5e: {  	_ =	shalt  }
0x5f: {  	_ =	shalt  }
0x60: {  	_ =	shalt  }
0x61: {  	_ =	shalt  }
0x62: {  	_ =	shalt  }
0x63: {  	_ =	shalt  }
0x64: {  	_ =	shalt  }
0x65: {  	_ =	shalt  }
0x66: {  	_ =	shalt  }
0x67: {  	_ =	shalt  }
0x68: {  	_ =	shalt  }
0x69: {  	_ =	shalt  }
0x6a: {  	_ =	shalt  }
0x6b: {  	_ =	shalt  }
0x6c: {  	_ =	shalt  }
0x6d: {  	_ =	shalt  }
0x6e: {  	_ =	shalt  }
0x6f: {  	_ =	shalt  }
0x70: {  	_ =	shalt  }
0x71: {  	_ =	shalt  }
0x72: {  	_ =	shalt  }
0x73: {  	_ =	shalt  }
0x74: {  	_ =	shalt  }
0x75: {  	_ =	shalt  }
0x76: {  	_ =	shalt  }
0x77: {  	_ =	shalt  }
0x78: {  	_ =	shalt  }
0x79: {  	_ =	shalt  }
0x7a: {  	_ =	shalt  }
0x7b: {  	_ =	shalt  }
0x7c: {  	_ =	shalt  }
0x7d: {  	_ =	shalt  }
0x7e: {  	_ =	shalt  }
0x7f: {  	_ =	shalt  }
0x80: {  	_ =	shalt  }
0x81: {  	_ =	shalt  }
0x82: {  	_ =	shalt  }
0x83: {  	_ =	shalt  }
0x84: {  	_ =	shalt  }
0x85: {  	_ =	shalt  }
0x86: {  	_ =	shalt  }
0x87: {  	_ =	shalt  }
.Lfunc_end0:
.L_simem_size_0:
called_computation_lowered:
.L_overlay_start_0:
0x88: {  	s2 =	sld [smem:$0x3FD9]  }
0x89: {  	s3 =	sld [smem:$0x3FFE];
	_ =	sdelay $0x1  }
0x8a: {  	s1 =	srdreg.scid  }
0x8b: {  	s0 =	sand.u32 $0x1, s1  }
0x8c: {  	s17 =	sshll.u32 s0, $0xA;
	s2 =	sadd.s32 s3, s2  }
0x8d: {  	s2 =	sadd.s32 s2, s17  }
0x8e: {  	[smem:$0x3FC1] =	sst s2  }
0x8f: {  	_ = 	snop  }
0x90: {  	s2 =	sld [smem:$0x3FC8]  }
0x91: {  	s18 =	sld [smem:$0x3FC7]  }
0x92: {  	s4 =	sld [smem:$0x3FD0];
	(tm) =	ssettm $0x1  }
0x93: {  	s5 =	sld [smem:$0x3FFB];
	_ =	sdelay $0x3  }
0x94: {  	_ =	strace s5  }
0x95: {  	s5 =	sld [smem:$0x3FFC];
	_ =	sdelay $0x3  }
0x96: {  	_ =	strace s5  }
0x97: {  	s5 =	sld [smem:$0x3FFD];
	_ =	sdelay $0x3  }
0x98: {  	_ =	strace s5  }
0x99: {  	_ =	strace $0x8FFFFFFF  }
0x9a: {  	s19 =	sld [smem:$0x3FDB];
	_ =	sdelay $0x1  }
0x9b: {  	s6 =	simm.s32 $_scs_section_size  }
0x9c: {  	s7 =	simm.s32 $_size__tile_overlayer_lowered;
	s8 =	simm.s32 $_tile_overlayer_lowered  }
0x9d: {  	s22 =	simm.s32 $0x1BFF;
	s21 =	sshll.u32 s8, $0x1;
	s5 =	sadd.s32 s6, s19  }
0x9e: {  	s9 =	simm.s32 $0x0;
	s20 =	sshll.u32 s7, $0x1;
	s7 =	sadd.s32 s21, s5  }
0x9f: {  	[timem:s9], [sflag:s22] =	dma.local [hbm:s7], s20  }
0xa0: {  	_ =	swait.ge [sflag:s22], s20  }
0xa1: {  	s6 =	ssub.s32 $0x0, s20;
	[sflag:s22] =	ssyncset.done $0x0  }
0xa2: {  	[sflag:s22] =	ssyncadd.s32 s6;
	_ =	sdelay $0x1  }
0xa3: {  	s23 =	simm.s32 $0x1B8B  }
0xa4: {  	_ =	swait.ge [sflag:s23], $0x1  }
0xa5: {  	[sflag:s23] =	ssyncset.done $0x0  }
0xa6: {  	s25 =	simm.s32 $0x1B8E;
	s24 =	sld [smem:$0x3FFE];
	[sflag:s23] =	ssyncadd.s32 $0xFFFFFFFF  }
0xa7: {  	s26 =	simm.s32 $execute0_lowered;
	[smem:$0x3FD2] =	sst s25  }
0xa8: {  	s7 =	sshll.u32 s26, $0x1;
	_ =	strace $0x80000046;
	[dreg:$0x1] =	wrdreg $0xFFFFFFFF  }
0xa9: {  	s28 =	simm.s32 $_size_execute0_lowered;
	s5 =	sadd.s32 s5, s7;
	[dreg:$0x0] =	wrdreg $0x0  }
0xaa: {  	s7 =	sshll.u32 s28, $0x1;
	[dreg:$0x2] =	wrdreg s5  }
0xab: {  	[dreg:$0x3] =	wrdreg s7  }
0xac: {  	[dreg:$0x4] =	wrdreg $0xC0  }
0xad: {  	_ =	task [dreg:s9], $0x5FFFF  }
0xae: {  	[dreg:$0x1] =	wrdreg $0xFFFFFFFF  }
0xaf: {  	[dreg:$0x0] =	wrdreg $0x60  }
0xb0: {  	[dreg:$0x2] =	wrdreg s18  }
0xb1: {  	[dreg:$0x3] =	wrdreg s2  }
0xb2: {  	[dreg:$0x4] =	wrdreg s4  }
0xb3: {  	[dreg:$0x5] =	wrdreg s24  }
0xb4: {  	[dreg:$0x6] =	wrdreg $0x9  }
0xb5: {  	_ =	task.clear_ibuf [dreg:s9], $0x7FFFF;
	_ =	strace $0x90000046  }
0xb6: {  	s29 =	simm.s32 $0x9;
	_ =	strace $0x80000048  }
0xb7: {  	_ =	swait.ge [sflag:s29], $0x1  }
0xb8: {  	[sflag:s29] =	ssyncadd.s32 $0xFFFFFFFF  }
0xb9: {  	_ =	strace $0x90000048  }
0xba: {  	_ =	sfence  }
0xbb: {  	s30 =	sld [smem:$0x0];
	_ =	sdelay $0x2  }
0xbc: {  	s31 =	sshll.u32 s1, $0xD;
	s1 =	sshrl.u32 s1, $0x2  }
0xbd: {  	s3 =	sand.u32 $0x4000, s31;
	s1 =	sadd.s32 s1, s30  }
0xbe: {  	s0 =	sor.u32 s3, s0;
	s1 =	sshll.u32 s1, $0x11  }
0xbf: {  	s0 =	sor.u32 s1, s0  }
0xc0: {  	s0 =	sadd.s32 $0x8F2B, s0  }
0xc1: {  	[sflag:s0] =	ssyncadd.remote.s32 $0x1  }
0xc2: {  	_ =	sfence.sel $0xFFFF  }
0xc3: {  	[dreg:$0x0] =	wrdreg $0xFFFFFFFF;
	(pc) =	sbr.abs _section_cstart, $3  }
0xc4: {  	[dreg:$0x1] =	wrdreg $0xFFFFFFFF  }
0xc5: {  	_ =	task.clear_ibuf [dreg:s9], $0x2FFFF;
	_ =	strace $0x9FFFFFFF  }
0xc6: {  	(tm) =	ssettm $0x7FFFFFFF  }
0xc7: {  	_ =	shalt  }
tec
execute0_lowered:
.L_overlay_start_1:
0x0: {  	(tag) =	ssettag $0x1  }
0x1: {  	s0 =	rddreg [dreg:$0x0]  }
0x2: {  	s1 =	rddreg [dreg:$0x1]  }
0x3: {  	s2 =	srdreg.scid;
	s12 =	rddreg [dreg:$0x2]  }
0x4: {  	s17 =	stileid.u32;
	s6 =	rddreg [dreg:$0x3];
	s3 =	simm.s32 $0x0  }
0x5: {  	s28 =	simm.s32 $0x2;
	s29 =	simm.s32 $0x4;
	s2 =	sand.u32 $0x1, s2  }
0x6: {  	s30 =	simm.s32 $0x0;
	s4 =	sshrl.u32 s17, $0x3;
	s5 =	smul.u32 $0x28000, s2  }
0x7: {  	s8 =	sshll.u32 s17, $0x7;
	[smem:$0x7FF] =	sst s3;
	s7 =	smul.u32 $0x14000, s4  }
0x8: {  	s21 =	sshll.u32 s17, $0x1;
	p0 =	sgt.u32 s17, $0xD;
	s11 =	smul.u32 $0x271000, s4  }
0x9: {  	s17 =	simm.s32 $0x400;
	s15 =	smul.u32 $0x138800, s2;
	s16 =	ssub.s32 $0x2, s2  }
0xa: {  	s10 =	sand.u32 $0x380, s8;
	s22 =	smul.u32 $0x9C40, s2;
	s18 =	sshrl.u32 s16, $0x1  }
0xb: {  	_ =	strace $0x80000047;
	s5 =	sadd.s32 s5, s7;
	s16 =	ssub.s32 s16, s18  }
0xc: {  	s24 =	sadd.s32 s1, s22;
	s31 =	sor.u32 s10, s11;
	s22 =	simm.s32 $0x5  }
0xd: {  	s14 =	sor.u32 s10, s5;
	s5 =	sadd.s32 s15, s11;
	[dreg:$0x6] =	wrdreg s24  }
0xe: {  	s24 =	simm.s32 $0x1;
	s13 =	sshrl.u32 s14, $0x3;
	s14 =	smul.u32 $0x27100, s2  }
0xf: {  	s19 =	sor.u32 s10, s5;
	s2 =	sor.u32 s2, s21;
	s15 =	sadd.s32 s13, s6  }
0x10: {  	s4 =	sshrl.u32 s19, $0x3;
	s9 =	smul.u32 $0x4E, s2;
	s2 =	smax.u32 s2, $0x1C  }
0x11: {  	s12 =	sadd.s32 s12, s13;
	s19 =	simm.s32 $0xC80;
	s20 =	sadd.s32 $0xC80, s14  }
0x12: {  	s4 =	sadd.s32 s0, s4;
	s13 =	sadd.s32 $0x1C00, s15;
	s23 =	sshll.u32 s20, $0x3  }
0x13: {  	[dreg:$0x5] =	wrdreg s4;
	s26 =	sshrl.u32 s20, $0x2;
	s2 =	sadd.s32 s9, s2  }
0x14: {  	s20 =	simm.s32 $0x3200;
	s8 =	sadd.s32 s11, s23;
	s2 =	sshll.u32 s2, $0x5  }
0x15: {  	s11 =	sadd.s32 $0x2580, s14;
	s23 =	simm.s32 $0xC200;
	s25 =	sor.u32 s10, s8  }
.Ltmp0:
0x16: {  	s8 =	simm.s32 $0x4F;
	s2 =	sadd.s32 s1, s2;
	(pc) =	sbr.rel .LBB2_1-.Ltmp0, $4  }
0x17: {  	s10 =	sadd.s32 $0x1900, s14;
	s14 =	smax.u32 s16, $0x1;
	s16 =	simm.s32 $0x80  }
0x18: {  	s7 =	sshrl.u32 s25, $0x3;
	s8 =	simm.s32 @!p0 $0x4E;
	s9 =	sadd.s32 $0xFFFFFC80, s2  }
0x19: {  	s2 =	sshrl.u32 s31, $0x3;
	s25 =	simm.s32 $0x3;
	s6 =	sadd.s32 s0, s7  }
0x1a: {  	v0 =	vimm.f32 $0.0e+00;
	v1 =	vimm.f32 $1.000000000e+00;
	s7 =	sadd.s32 s1, s26;
	s15 =	sadd.s32 s0, s2;
	s26 =	simm.s32 $0x9A00  }
.LBB2_12:
0x1b: {  	[hbm4b:s12+s16] =	stream.strided.scatter [tilespmem:s26], [sflag:$0x5], $0x2800, s17, s16, $0x38;
	[tilespmem:$0xEA00] =	vst v63  }
0x1c: {  	s30 =	sadd.s32 $0x1, s30;
	_ =	swait.ge [sflag:s22], $0x2800  }
0x1d: {  	p0 =	sne.s32 s30, s14;
	[sflag:s22] =	ssyncset.done $0x0  }
.Ltmp1:
0x1e: {  	[sflag:s22] =	ssyncadd.s32 $0xFFFFD800;
	(pc) =	sbr.rel @!p0 .LBB2_13-.Ltmp1, $4  }
0x1f: {  	[hbm4b:s13+s16] =	stream.strided.scatter [tilespmem:s23], [sflag:$0x5], $0x2800, s17, s16, $0x38;
	[tilespmem:$0xEA00] =	vst v63  }
0x20: {  	_ =	swait.ge [sflag:s22], $0x2800  }
0x21: {  	[sflag:s22] =	ssyncset.done $0x0  }
0x22: {  	[sflag:s22] =	ssyncadd.s32 $0xFFFFD800  }
.LBB2_1:
0x23: {  	s0 =	simm.s32 $0x40;
	s2 =	simm.s32 $0x0  }
.LBB2_2:
0x24: {  	p0 =	sne.s32 s0, $0x9FC0;
	[tilespmem:s2+$0x9A00] =	vst v0;
	s18 =	smov.u32 s0;
	s0 =	sadd.s32 $0x40, s0  }
.Ltmp2:
0x25: {  	[tilespmem:s2+$0xC200] =	vst v0;
	(pc) =	sbr.rel @p0 .LBB2_2-.Ltmp2, $2  }
0x26: {  	_ =	sdelay $0x2  }
0x27: {  	s2 =	sshra.s32 s18, $0x2  }
0x28: {  	[tilespmem:s2+$0x9A00] =	vst v0  }
0x29: {  	[tilespmem:s2+$0xC200] =	vst v0;
	s0 =	rddreg [dreg:$0x5]  }
0x2a: {  	[tilespmem:s3], [sflag:$0x1] =	stream.strided.gather [hbm4b:s0+s16], $0xC80, s17, s16, $0x38;
	[tilespmem:$0xEA00] =	vst v63  }
0x2b: {  	s18 =	rddreg [dreg:$0x6];
	s21 =	simm.s32 $0x1900  }
0x2c: {  	[tilespmem:s21], [sflag:$0x3] =	stream.linear.gather [hbm4b:s18+s3], $0x1900, $0x38;
	[tilespmem:$0xEA00] =	vst v63  }
0x2d: {  	_ = 	snop  }
0x2e: {  	[tilespmem:s19], [sflag:$0x2] =	stream.strided.gather [hbm4b:s6+s16], $0xC80, s17, s16, $0x38;
	[tilespmem:$0xEA00] =	vst v63  }
0x2f: {  	_ = 	snop  }
0x30: {  	[tilespmem:s20], [sflag:$0x4] =	stream.linear.gather [hbm4b:s7+s3], $0x1900, $0x38;
	[tilespmem:$0xEA00] =	vst v63  }
0x31: {  	s31 =	simm.s32 $0x4B00  }
0x32: {  	[tilespmem:s31], [sflag:$0x5] =	stream.linear.gather [hbm4b:s9+s3], $0x4F00, $0x38;
	[tilespmem:$0xEA00] =	vst v63  }
0x33: {  	_ =	swait.ge [sflag:s22], $0x4F00  }
0x34: {  	[sflag:s22] =	ssyncset.done $0x0  }
0x35: {  	s0 =	simm.s32 $0x4BF0;
	[sflag:s22] =	ssyncadd.s32 $0xFFFFB100  }
0x36: {  	v3 =	vld [tilespmem:s0+$0xFFFFFF90]  }
0x37: {  	v4 =	vld [tilespmem:s0+$0xFFFFFFA0]  }
0x38: {  	v5 =	vld [tilespmem:s0+$0xFFFFFFB0]  }
0x39: {  	v6 =	vld [tilespmem:s0+$0xFFFFFFC0]  }
0x3a: {  	v7 =	vld [tilespmem:s0+$0xFFFFFFD0]  }
0x3b: {  	v8 =	vld [tilespmem:s0+$0xFFFFFFE0]  }
0x3c: {  	v9 =	vld [tilespmem:s0+$0xFFFFFFF0]  }
0x3d: {  	v2 =	vld [tilespmem:s0+$0x0]  }
0x3e: {  	[tilespmem:v3+s23+$0x0] =	vst.idx.add.f32.msk $0xffff, v1  }
0x3f: {  	p0 =	sne.s32 s8, $0x1;
	[tilespmem:v4+s23+$0x0] =	vst.idx.add.f32.msk $0xffff, v1  }
.Ltmp3:
0x40: {  	[tilespmem:v5+s23+$0x0] =	vst.idx.add.f32.msk $0xffff, v1;
	(pc) =	sbr.rel @!p0 .LBB2_5-.Ltmp3, $4  }
0x41: {  	[tilespmem:v6+s23+$0x0] =	vst.idx.add.f32.msk $0xffff, v1  }
0x42: {  	[tilespmem:v7+s23+$0x0] =	vst.idx.add.f32.msk $0xffff, v1  }
0x43: {  	[tilespmem:v8+s23+$0x0] =	vst.idx.add.f32.msk $0xffff, v1  }
0x44: {  	s2 =	simm.s32 $0x0;
	s18 =	sadd.s32 $0xFFFFFFFF, s8;
	[tilespmem:v9+s23+$0x0] =	vst.idx.add.f32.msk $0xffff, v1  }
.LBB2_4:
0x45: {  	p0 =	sne.s32 s18, $0x1;
	s18 =	sadd.s32 $0xFFFFFFFF, s18;
	[tilespmem:v2+s23+$0x0] =	vst.idx.add.f32.msk $0xffff, v1;
	s0 =	sadd.s32 $0x100, s0  }
0x46: {  	v3 =	vld [tilespmem:s0+$0xFFFFFF90]  }
0x47: {  	v4 =	vld [tilespmem:s0+$0xFFFFFFA0]  }
0x48: {  	v5 =	vld [tilespmem:s0+$0xFFFFFFB0]  }
0x49: {  	v6 =	vld [tilespmem:s0+$0xFFFFFFC0]  }
0x4a: {  	v7 =	vld [tilespmem:s0+$0xFFFFFFD0]  }
0x4b: {  	v8 =	vld [tilespmem:s0+$0xFFFFFFE0]  }
0x4c: {  	v9 =	vld [tilespmem:s0+$0xFFFFFFF0]  }
0x4d: {  	v2 =	vld [tilespmem:s0+$0x0]  }
0x4e: {  	[tilespmem:v3+s23+$0x0] =	vst.idx.add.f32.msk $0xffff, v1  }
0x4f: {  	[tilespmem:v4+s23+$0x0] =	vst.idx.add.f32.msk $0xffff, v1  }
.Ltmp4:
0x50: {  	[tilespmem:v5+s23+$0x0] =	vst.idx.add.f32.msk $0xffff, v1;
	(pc) =	sbr.rel @p0 .LBB2_4-.Ltmp4, $4  }
0x51: {  	[tilespmem:v6+s23+$0x0] =	vst.idx.add.f32.msk $0xffff, v1  }
0x52: {  	[tilespmem:v7+s23+$0x0] =	vst.idx.add.f32.msk $0xffff, v1  }
0x53: {  	[tilespmem:v8+s23+$0x0] =	vst.idx.add.f32.msk $0xffff, v1  }
0x54: {  	[tilespmem:v9+s23+$0x0] =	vst.idx.add.f32.msk $0xffff, v1  }
.LBB2_5:
0x55: {  	_ =	sdelay $0x3  }
0x56: {  	[tilespmem:v2+s23+$0x0] =	vst.idx.add.f32.msk $0xffff, v1;
	s31 =	smov.u32 s2  }
.LBB2_6:
0x57: {  	_ =	swait.ge [sflag:s24], $0xC80  }
0x58: {  	[sflag:s24] =	ssyncset.done $0x0  }
0x59: {  	[sflag:s24] =	ssyncadd.s32 $0xFFFFF380  }
0x5a: {  	_ =	swait.ge [sflag:s25], $0x1900  }
0x5b: {  	[sflag:s25] =	ssyncset.done $0x0  }
0x5c: {  	s0 =	simm.s32 $0x19F0;
	[sflag:s25] =	ssyncadd.s32 $0xFFFFE700  }
0x5d: {  	v2 =	vld [tilespmem:s0+$0x0]  }
0x5e: {  	v4 =	vld [tilespmem:s0+$0xFFFFFFF0]  }
0x5f: {  	v5 =	vld [tilespmem:s0+$0xFFFFFFC0]  }
0x60: {  	v6 =	vld [tilespmem:s0+$0xFFFFFFB0]  }
0x61: {  	v7 =	vld [tilespmem:s0+$0xFFFFFFA0]  }
0x62: {  	s18 =	sshra.s32 s2, $0x2;
	v8 =	vld [tilespmem:s0+$0xFFFFFF90]  }
0x63: {  	v3 =	vld [tilespmem:s18+$0x70]  }
0x64: {  	v9 =	vld [tilespmem:s18+$0x60]  }
0x65: {  	v10 =	vld [tilespmem:s18+$0x50]  }
0x66: {  	v11 =	vld [tilespmem:s18+$0x0]  }
0x67: {  	v12 =	vld [tilespmem:s18+$0x10]  }
0x68: {  	v13 =	vld [tilespmem:s18+$0x20]  }
0x69: {  	v14 =	vld [tilespmem:s0+$0xFFFFFFD0]  }
0x6a: {  	v15 =	vld [tilespmem:s0+$0xFFFFFFE0]  }
0x6b: {  	v16 =	vld [tilespmem:s18+$0x30]  }
0x6c: {  	v17 =	vld [tilespmem:s18+$0x40]  }
0x6d: {  	[tilespmem:v8+s26+$0x0] =	vst.idx.add.f32.msk $0xffff, v11  }
0x6e: {  	p0 =	sne.s32 s2, $0x3000;
	[tilespmem:v7+s26+$0x0] =	vst.idx.add.f32.msk $0xffff, v12  }
.Ltmp5:
0x6f: {  	[tilespmem:v6+s26+$0x0] =	vst.idx.add.f32.msk $0xffff, v13;
	(pc) =	sbr.rel @!p0 .LBB2_8-.Ltmp5, $4  }
0x70: {  	[tilespmem:v5+s26+$0x0] =	vst.idx.add.f32.msk $0xffff, v16  }
0x71: {  	[tilespmem:v14+s26+$0x0] =	vst.idx.add.f32.msk $0xffff, v17  }
0x72: {  	[tilespmem:v15+s26+$0x0] =	vst.idx.add.f32.msk $0xffff, v10  }
0x73: {  	s18 =	sadd.s32 $0x200, s2;
	[tilespmem:v4+s26+$0x0] =	vst.idx.add.f32.msk $0xffff, v9  }
.LBB2_7:
0x74: {  	p0 =	sne.s32 s18, $0x3000  }
0x75: {  	[tilespmem:v2+s26+$0x0] =	vst.idx.add.f32.msk $0xffff, v3;
	s0 =	sadd.s32 $0x100, s0;
	s21 =	smov.u32 s18;
	s18 =	sadd.s32 $0x200, s18  }
0x76: {  	v2 =	vld [tilespmem:s0+$0x0]  }
0x77: {  	v4 =	vld [tilespmem:s0+$0xFFFFFFF0]  }
0x78: {  	v5 =	vld [tilespmem:s0+$0xFFFFFFC0]  }
0x79: {  	v6 =	vld [tilespmem:s0+$0xFFFFFFB0]  }
0x7a: {  	v7 =	vld [tilespmem:s0+$0xFFFFFFA0]  }
0x7b: {  	s21 =	sshra.s32 s21, $0x2;
	v8 =	vld [tilespmem:s0+$0xFFFFFF90]  }
0x7c: {  	v3 =	vld [tilespmem:s21+$0x70]  }
0x7d: {  	v9 =	vld [tilespmem:s21+$0x60]  }
0x7e: {  	v10 =	vld [tilespmem:s21+$0x50]  }
0x7f: {  	v11 =	vld [tilespmem:s21+$0x0]  }
0x80: {  	v12 =	vld [tilespmem:s21+$0x10]  }
0x81: {  	v13 =	vld [tilespmem:s21+$0x20]  }
0x82: {  	v14 =	vld [tilespmem:s0+$0xFFFFFFD0]  }
0x83: {  	v15 =	vld [tilespmem:s0+$0xFFFFFFE0]  }
0x84: {  	v16 =	vld [tilespmem:s21+$0x30]  }
0x85: {  	v17 =	vld [tilespmem:s21+$0x40]  }
0x86: {  	[tilespmem:v8+s26+$0x0] =	vst.idx.add.f32.msk $0xffff, v11  }
0x87: {  	[tilespmem:v7+s26+$0x0] =	vst.idx.add.f32.msk $0xffff, v12  }
.Ltmp6:
0x88: {  	[tilespmem:v6+s26+$0x0] =	vst.idx.add.f32.msk $0xffff, v13;
	(pc) =	sbr.rel @p0 .LBB2_7-.Ltmp6, $4  }
0x89: {  	[tilespmem:v5+s26+$0x0] =	vst.idx.add.f32.msk $0xffff, v16  }
0x8a: {  	[tilespmem:v14+s26+$0x0] =	vst.idx.add.f32.msk $0xffff, v17  }
0x8b: {  	[tilespmem:v15+s26+$0x0] =	vst.idx.add.f32.msk $0xffff, v10  }
0x8c: {  	[tilespmem:v4+s26+$0x0] =	vst.idx.add.f32.msk $0xffff, v9  }
.LBB2_8:
0x8d: {  	p0 =	seq.s32 s31, $0x18  }
0x8e: {  	s0 =	smul.u32 @!p0 $0x1900, s31;
	_ =	sdelay $0x1  }
0x8f: {  	s21 =	simm.s32 @!p0 $0x80;
	s4 =	simm.s32 @!p0 $0x400;
	s0 =	sadd.s32 @!p0 s0, s10  }
0x90: {  	[tilespmem:v2+s26+$0x0] =	vst.idx.add.f32.msk $0xffff, v3;
	s5 =	simm.s32 @!p0 $0x0;
	s18 =	sadd.s32 @!p0 s15, s0;
	s0 =	sshrl.u32 @!p0 s0, $0x2  }
0x91: {  	[tilespmem:s5], [sflag:$0x1] =	stream.strided.gather @!p0 [hbm4b:s18+s21], $0xC80, s4, s21, $0x38;
	[tilespmem:$0xEA00] =	vst v63  }
0x92: {  	s0 =	sadd.s32 @!p0 s1, s0;
	s4 =	simm.s32 @!p0 $0x1900  }
0x93: {  	[tilespmem:s4], [sflag:$0x3] =	stream.linear.gather @!p0 [hbm4b:s0+s5], $0x1900, $0x38;
	[tilespmem:$0xEA00] =	vst v63  }
0x94: {  	_ =	swait.ge [sflag:s28], $0xC80  }
0x95: {  	[sflag:s28] =	ssyncset.done $0x0  }
0x96: {  	[sflag:s28] =	ssyncadd.s32 $0xFFFFF380  }
0x97: {  	_ =	swait.ge [sflag:s29], $0x1900  }
0x98: {  	[sflag:s29] =	ssyncset.done $0x0  }
0x99: {  	s0 =	simm.s32 $0x32F0;
	[sflag:s29] =	ssyncadd.s32 $0xFFFFE700  }
0x9a: {  	v2 =	vld [tilespmem:s0+$0x0]  }
0x9b: {  	v4 =	vld [tilespmem:s0+$0xFFFFFFF0]  }
0x9c: {  	v5 =	vld [tilespmem:s0+$0xFFFFFFC0]  }
0x9d: {  	v6 =	vld [tilespmem:s0+$0xFFFFFFB0]  }
0x9e: {  	v7 =	vld [tilespmem:s0+$0xFFFFFFA0]  }
0x9f: {  	s21 =	simm.s32 $0x0;
	v8 =	vld [tilespmem:s0+$0xFFFFFF90]  }
0xa0: {  	v3 =	vld [tilespmem:s21+$0xCF0]  }
0xa1: {  	v9 =	vld [tilespmem:s21+$0xCE0]  }
0xa2: {  	v10 =	vld [tilespmem:s21+$0xCD0]  }
0xa3: {  	v11 =	vld [tilespmem:s21+$0xC80]  }
0xa4: {  	v12 =	vld [tilespmem:s21+$0xC90]  }
0xa5: {  	v13 =	vld [tilespmem:s21+$0xCA0]  }
0xa6: {  	v14 =	vld [tilespmem:s0+$0xFFFFFFD0]  }
0xa7: {  	v15 =	vld [tilespmem:s0+$0xFFFFFFE0]  }
0xa8: {  	v16 =	vld [tilespmem:s21+$0xCB0]  }
0xa9: {  	v17 =	vld [tilespmem:s21+$0xCC0]  }
0xaa: {  	[tilespmem:v8+s26+$0x0] =	vst.idx.add.f32.msk $0xffff, v11  }
0xab: {  	[tilespmem:v7+s26+$0x0] =	vst.idx.add.f32.msk $0xffff, v12  }
0xac: {  	[tilespmem:v6+s26+$0x0] =	vst.idx.add.f32.msk $0xffff, v13  }
0xad: {  	[tilespmem:v5+s26+$0x0] =	vst.idx.add.f32.msk $0xffff, v16  }
0xae: {  	[tilespmem:v14+s26+$0x0] =	vst.idx.add.f32.msk $0xffff, v17  }
0xaf: {  	[tilespmem:v15+s26+$0x0] =	vst.idx.add.f32.msk $0xffff, v10  }
0xb0: {  	s18 =	simm.s32 $0x200;
	[tilespmem:v4+s26+$0x0] =	vst.idx.add.f32.msk $0xffff, v9  }
.LBB2_9:
0xb1: {  	p1 =	sne.s32 s18, $0x3000  }
0xb2: {  	[tilespmem:v2+s26+$0x0] =	vst.idx.add.f32.msk $0xffff, v3;
	s0 =	sadd.s32 $0x100, s0;
	s4 =	smov.u32 s18;
	s18 =	sadd.s32 $0x200, s18  }
0xb3: {  	v2 =	vld [tilespmem:s0+$0x0]  }
0xb4: {  	v4 =	vld [tilespmem:s0+$0xFFFFFFF0]  }
0xb5: {  	v5 =	vld [tilespmem:s0+$0xFFFFFFC0]  }
0xb6: {  	v6 =	vld [tilespmem:s0+$0xFFFFFFB0]  }
0xb7: {  	v7 =	vld [tilespmem:s0+$0xFFFFFFA0]  }
0xb8: {  	s4 =	sshra.s32 s4, $0x2;
	v8 =	vld [tilespmem:s0+$0xFFFFFF90]  }
0xb9: {  	v3 =	vld [tilespmem:s4+$0xCF0]  }
0xba: {  	v9 =	vld [tilespmem:s4+$0xCE0]  }
0xbb: {  	v10 =	vld [tilespmem:s4+$0xCD0]  }
0xbc: {  	v11 =	vld [tilespmem:s4+$0xC80]  }
0xbd: {  	v12 =	vld [tilespmem:s4+$0xC90]  }
0xbe: {  	v13 =	vld [tilespmem:s4+$0xCA0]  }
0xbf: {  	v14 =	vld [tilespmem:s0+$0xFFFFFFD0]  }
0xc0: {  	v15 =	vld [tilespmem:s0+$0xFFFFFFE0]  }
0xc1: {  	v16 =	vld [tilespmem:s4+$0xCB0]  }
0xc2: {  	v17 =	vld [tilespmem:s4+$0xCC0]  }
0xc3: {  	[tilespmem:v8+s26+$0x0] =	vst.idx.add.f32.msk $0xffff, v11  }
0xc4: {  	[tilespmem:v7+s26+$0x0] =	vst.idx.add.f32.msk $0xffff, v12  }
.Ltmp7:
0xc5: {  	[tilespmem:v6+s26+$0x0] =	vst.idx.add.f32.msk $0xffff, v13;
	(pc) =	sbr.rel @p1 .LBB2_9-.Ltmp7, $4  }
0xc6: {  	[tilespmem:v5+s26+$0x0] =	vst.idx.add.f32.msk $0xffff, v16  }
0xc7: {  	[tilespmem:v14+s26+$0x0] =	vst.idx.add.f32.msk $0xffff, v17  }
0xc8: {  	[tilespmem:v15+s26+$0x0] =	vst.idx.add.f32.msk $0xffff, v10  }
0xc9: {  	[tilespmem:v4+s26+$0x0] =	vst.idx.add.f32.msk $0xffff, v9  }
.Ltmp8:
0xca: {  	_ = 	snop;
	(pc) =	sbr.rel @p0 .LBB2_12-.Ltmp8, $2  }
0xcb: {  	_ =	sdelay $0x2  }
0xcc: {  	[tilespmem:v2+s26+$0x0] =	vst.idx.add.f32.msk $0xffff, v3  }
0xcd: {  	s0 =	smul.u32 $0x1900, s31;
	_ =	sdelay $0x1  }
.Ltmp9:
0xce: {  	s0 =	sadd.s32 s0, s11;
	(pc) =	sbr.rel .LBB2_6-.Ltmp9, $4  }
0xcf: {  	s4 =	sadd.s32 s15, s0;
	s0 =	sshrl.u32 s0, $0x2  }
0xd0: {  	[tilespmem:s19], [sflag:$0x2] =	stream.strided.gather [hbm4b:s4+s16], $0xC80, s17, s16, $0x38;
	[tilespmem:$0xEA00] =	vst v63  }
0xd1: {  	s31 =	sadd.s32 $0x1, s31;
	s0 =	sadd.s32 s1, s0  }
0xd2: {  	[tilespmem:s20], [sflag:$0x4] =	stream.linear.gather [hbm4b:s0+s3], $0x1900, $0x38;
	[tilespmem:$0xEA00] =	vst v63  }
.LBB2_13:
0xd3: {  	_ =	sfence.sel $0x180000  }
0xd4: {  	[bflag:$0x0] =	sbarrier.arrive $0xFFFF  }
0xd5: {  	_ =	strace $0x90000047  }
0xd6: {  	s0 =	stileid.u32;
	[bflag:$0x2] =	sbarrier.arrive $0xFFFF  }
0xd7: {  	p0 =	sne.s32 s0, $0x0;
	s0 =	rddreg [dreg:$0x4]  }
0xd8: {  	s0 =	sadd.s32 @!p0 $0x100000, s0  }
0xd9: {  	[sflag:s0] =	ssyncadd.tile.s32 @!p0 $0x1;
	_ =	shalt  }
.Lfunc_end2:
_tile_overlayer_lowered:
.L_overlay_start_2:
0xda: {  	(tag) =	ssettag $0x2  }
0xdb: {  	s0 =	rddreg [dreg:$0x0];
	s2 =	stileid.u32  }
0xdc: {  	s1 =	rddreg [dreg:$0x1];
	p0 =	sne.s32 s2, $0x0  }
0xdd: {  	s3 =	rddreg [dreg:$0x2];
	[bflag:$0x3] =	sbarrier.arrive $0xFFFF;
	s2 =	simm.s32 @!p0 $0x1C05  }
0xde: {  	[timem:s3], [sflag:s2] =	dma.local @!p0 [hbm:s0], s1  }
0xdf: {  	s0 =	simm.s32 @!p0 $0x5  }
0xe0: {  	_ =	swait.ge @!p0 [sflag:s0], s1  }
0xe1: {  	s1 =	ssub.s32 @!p0 $0x0, s1;
	[sflag:s0] =	ssyncset.done @!p0 $0x0  }
0xe2: {  	[sflag:s0] =	ssyncadd.s32 @!p0 s1  }
0xe3: {  	[bflag:$0x3] =	sbarrier.arrive $0xFFFF  }
0xe4: {  	_ =	shalt  }

</sc_bundles>
